<compile_context>
chip_gen: v7x
topology: tpu7x:2x2x1
jax: 0.10.2.dev20260603
libtpu: 0.0.44.dev20260713+nightly
codegen_flags: <defaults>
</compile_context>

<pallas_src>
import functools

import jax
import jax.numpy as jnp
from jax import lax
from jax.experimental import pallas as pl
from jax.experimental.pallas import tpu as pltpu
from jax.experimental.pallas import tpu_sc as plsc

N = 10000
E = 320000
D = 128

NC = 2
NS = 16
NW = NC * NS

CH = 80
EPW = E // NW
HPW = 2 * E // NW
NP = 10240
RPT = NP // NS
ZCH = 128


def _sc_mesh():
    return plsc.VectorSubcoreMesh(core_axis_name="c", subcore_axis_name="s")


@functools.cache
def _deg_kernel_fn():
    return functools.partial(
        pl.kernel,
        out_type=jax.ShapeDtypeStruct((NC, 2 * N), jnp.float32),
        mesh=_sc_mesh(),
        scratch_types=[
            pltpu.VMEM((CH,), jnp.int32),
            pltpu.VMEM((CH,), jnp.float32),
            pltpu.VMEM((2 * N,), jnp.float32),
            pltpu.VMEM_SHARED((2 * N,), jnp.float32),
        ],
    )(_deg_body)


def _deg_body(idx_hbm, out_hbm, idx_v, ones_v, big_v, hist_sh):
    c = lax.axis_index("c")
    s = lax.axis_index("s")
    wid = s * NC + c

    def fill_ones(i, _):
        ones_v[pl.ds(i * 16, 16)] = jnp.ones((16,), jnp.float32)
        return 0

    lax.fori_loop(0, CH // 16, fill_ones, 0)

    @pl.when(s == 0)
    def _zero():
        def z(i, _):
            big_v[pl.ds(i * 16, 16)] = jnp.zeros((16,), jnp.float32)
            return 0

        lax.fori_loop(0, (2 * N) // 16, z, 0)
        pltpu.sync_copy(big_v, hist_sh)

    plsc.subcore_barrier()

    base = wid * HPW

    def step(j, _):
        pltpu.sync_copy(idx_hbm.at[pl.ds(base + j * CH, CH)], idx_v)
        pltpu.sync_copy(ones_v, hist_sh.at[idx_v], add=True)
        return 0

    lax.fori_loop(0, HPW // CH, step, 0)
    plsc.subcore_barrier()

    @pl.when(s == 0)
    def _dump():
        pltpu.sync_copy(hist_sh, big_v)
        pltpu.sync_copy(big_v, out_hbm.at[c])


@functools.cache
def _spmm_kernel_fn():
    return functools.partial(
        pl.kernel,
        out_type=jax.ShapeDtypeStruct((NC, NP, D), jnp.float32),
        mesh=_sc_mesh(),
        scratch_types=[
            pltpu.VMEM((CH,), jnp.int32),
            pltpu.VMEM((CH,), jnp.int32),
            pltpu.VMEM((CH, D), jnp.float32),
            pltpu.VMEM((ZCH, D), jnp.float32),
            pltpu.VMEM_SHARED((NP, D), jnp.float32),
            pltpu.SemaphoreType.DMA,
        ],
    )(_spmm_body)


def _spmm_body(tab_hbm, src_hbm, dst_hbm, out_hbm, si_v, di_v, rows_v,
               blk_v, acc_sh, sem):
    c = lax.axis_index("c")
    s = lax.axis_index("s")
    wid = s * NC + c

    def zrow(i, _):
        r = i // (D // 16)
        k = i % (D // 16)
        blk_v[r, pl.ds(k * 16, 16)] = jnp.zeros((16,), jnp.float32)
        return 0

    lax.fori_loop(0, ZCH * (D // 16), zrow, 0)

    def zcopy(k, _):
        pltpu.sync_copy(blk_v, acc_sh.at[pl.ds(s * RPT + k * ZCH, ZCH)])
        return 0

    lax.fori_loop(0, RPT // ZCH, zcopy, 0)
    plsc.subcore_barrier()

    base = wid * EPW

    def step(j, _):
        pltpu.sync_copy(src_hbm.at[pl.ds(base + j * CH, CH)], si_v)
        pltpu.sync_copy(dst_hbm.at[pl.ds(base + j * CH, CH)], di_v)
        pltpu.async_copy(tab_hbm.at[si_v], rows_v, sem).wait()
        pltpu.sync_copy(rows_v, acc_sh.at[di_v], add=True)
        return 0

    lax.fori_loop(0, EPW // CH, step, 0)
    plsc.subcore_barrier()

    def dump(k, _):
        r0 = s * RPT + k * ZCH
        pltpu.sync_copy(acc_sh.at[pl.ds(r0, ZCH)], blk_v)
        pltpu.sync_copy(blk_v, out_hbm.at[c, pl.ds(r0, ZCH)])
        return 0

    lax.fori_loop(0, RPT // ZCH, dump, 0)


@functools.cache
def _edge_gather_kernel_fn():
    return functools.partial(
        pl.kernel,
        out_type=(
            jax.ShapeDtypeStruct((E, D), jnp.float32),
            jax.ShapeDtypeStruct((E, D), jnp.float32),
        ),
        mesh=_sc_mesh(),
        scratch_types=[
            pltpu.VMEM((CH,), jnp.int32),
            pltpu.VMEM((CH,), jnp.int32),
            pltpu.VMEM((CH, D), jnp.float32),
            pltpu.VMEM((CH, D), jnp.float32),
            pltpu.SemaphoreType.DMA,
            pltpu.SemaphoreType.DMA,
        ],
    )(_edge_gather_body)


def _edge_gather_body(a_hbm, b_hbm, src_hbm, dst_hbm, oa_hbm, ob_hbm,
                      si_v, di_v, ra_v, rb_v, sema, semb):
    c = lax.axis_index("c")
    s = lax.axis_index("s")
    wid = s * NC + c
    base = wid * EPW

    def step(j, _):
        e0 = base + j * CH
        pltpu.sync_copy(src_hbm.at[pl.ds(e0, CH)], si_v)
        pltpu.sync_copy(dst_hbm.at[pl.ds(e0, CH)], di_v)
        ca = pltpu.async_copy(a_hbm.at[si_v], ra_v, sema)
        cb = pltpu.async_copy(b_hbm.at[di_v], rb_v, semb)
        ca.wait()
        pltpu.sync_copy(ra_v, oa_hbm.at[pl.ds(e0, CH)])
        cb.wait()
        pltpu.sync_copy(rb_v, ob_hbm.at[pl.ds(e0, CH)])
        return 0

    lax.fori_loop(0, EPW // CH, step, 0)


BN = 2000


def _prep_body(dgo_ref, dgi_ref, x_ref, t_ref, no_ref, ni_ref):
    no = lax.rsqrt(jnp.maximum(dgo_ref[...], 1.0))
    ni = lax.rsqrt(jnp.maximum(dgi_ref[...], 1.0))
    no_ref[...] = no
    ni_ref[...] = ni
    t_ref[...] = x_ref[...] * no


def _prep_tc(dgo, dgi, x):
    return pl.pallas_call(
        _prep_body,
        grid=(N // BN,),
        in_specs=[
            pl.BlockSpec((BN, 1), lambda i: (i, 0)),
            pl.BlockSpec((BN, 1), lambda i: (i, 0)),
            pl.BlockSpec((BN, D), lambda i: (i, 0)),
        ],
        out_specs=[
            pl.BlockSpec((BN, D), lambda i: (i, 0)),
            pl.BlockSpec((BN, 1), lambda i: (i, 0)),
            pl.BlockSpec((BN, 1), lambda i: (i, 0)),
        ],
        out_shape=[
            jax.ShapeDtypeStruct((N, D), jnp.float32),
            jax.ShapeDtypeStruct((N, 1), jnp.float32),
            jax.ShapeDtypeStruct((N, 1), jnp.float32),
        ],
    )(dgo, dgi, x)


def _layer_body(a_ref, ni_ref, no_ref, w_ref, b_ref, t_ref, *, act, scale):
    agg = (a_ref[0] + a_ref[1]) * ni_ref[...]
    h = jnp.dot(agg, w_ref[...], preferred_element_type=jnp.float32) + b_ref[...]
    if act:
        h = jnp.maximum(h, 0.0)
    if scale:
        h = h * no_ref[...]
    t_ref[...] = h


def _layer_tc(aggp, ni, no, w, b, act, scale):
    body = functools.partial(_layer_body, act=act, scale=scale)
    return pl.pallas_call(
        body,
        grid=(N // BN,),
        in_specs=[
            pl.BlockSpec((2, BN, D), lambda i: (0, i, 0)),
            pl.BlockSpec((BN, 1), lambda i: (i, 0)),
            pl.BlockSpec((BN, 1), lambda i: (i, 0)),
            pl.BlockSpec((D, D), lambda i: (0, 0)),
            pl.BlockSpec((1, D), lambda i: (0, 0)),
        ],
        out_specs=pl.BlockSpec((BN, D), lambda i: (i, 0)),
        out_shape=jax.ShapeDtypeStruct((N, D), jnp.float32),
    )(aggp, ni, no, w, b)


def _head_body(h_ref, wa_ref, wb_ref, bp_ref, a_ref, b_ref):
    h = h_ref[...]
    a_ref[...] = jnp.dot(h, wa_ref[...], preferred_element_type=jnp.float32)
    b_ref[...] = (jnp.dot(h, wb_ref[...], preferred_element_type=jnp.float32)
                  + bp_ref[...])


def _head_tc(h, wp1a, wp1b, bp1):
    return pl.pallas_call(
        _head_body,
        grid=(N // BN,),
        in_specs=[
            pl.BlockSpec((BN, D), lambda i: (i, 0)),
            pl.BlockSpec((D, D), lambda i: (0, 0)),
            pl.BlockSpec((D, D), lambda i: (0, 0)),
            pl.BlockSpec((1, D), lambda i: (0, 0)),
        ],
        out_specs=[
            pl.BlockSpec((BN, D), lambda i: (i, 0)),
            pl.BlockSpec((BN, D), lambda i: (i, 0)),
        ],
        out_shape=[
            jax.ShapeDtypeStruct((N, D), jnp.float32),
            jax.ShapeDtypeStruct((N, D), jnp.float32),
        ],
    )(h, wp1a, wp1b, bp1)


BE = 4000


def _mlp_body(as_ref, bs_ref, w2_ref, b2_ref, w3_ref, b3_ref, o_ref):
    z1 = jnp.maximum(as_ref[...] + bs_ref[...], 0.0)
    z2 = jnp.dot(z1, w2_ref[...], preferred_element_type=jnp.float32) + b2_ref[...]
    z2 = jnp.maximum(z2, 0.0)
    z3 = jnp.dot(z2, w3_ref[...], preferred_element_type=jnp.float32) + b3_ref[...]
    o_ref[...] = jax.nn.sigmoid(z3)


def _mlp_tc(asrc, bdst, wp2, bp2, wp3, bp3):
    return pl.pallas_call(
        _mlp_body,
        grid=(E // BE,),
        in_specs=[
            pl.BlockSpec((BE, D), lambda i: (i, 0)),
            pl.BlockSpec((BE, D), lambda i: (i, 0)),
            pl.BlockSpec((D, 64), lambda i: (0, 0)),
            pl.BlockSpec((1, 64), lambda i: (0, 0)),
            pl.BlockSpec((64, 1), lambda i: (0, 0)),
            pl.BlockSpec((1, 1), lambda i: (0, 0)),
        ],
        out_specs=pl.BlockSpec((BE, 1), lambda i: (i, 0)),
        out_shape=jax.ShapeDtypeStruct((E, 1), jnp.float32),
    )(asrc, bdst, wp2, bp2, wp3, bp3)


def kernel(x, edge_index, W1, b1, W2, b2, Wp1, bp1, Wp2, bp2, Wp3, bp3):
    ei = edge_index.astype(jnp.int32)
    src = ei[0]
    dst = ei[1]
    hist_idx = jnp.concatenate([src, dst + N])

    degp = _deg_kernel_fn()(hist_idx)
    deg = degp[0] + degp[1]
    t0, no, ni = _prep_tc(deg[:N].reshape(N, 1), deg[N:].reshape(N, 1), x)

    agg1p = _spmm_kernel_fn()(t0, src, dst)
    t1 = _layer_tc(agg1p, ni, no, W1, b1.reshape(1, D), act=True, scale=True)

    agg2p = _spmm_kernel_fn()(t1, src, dst)
    h2 = _layer_tc(agg2p, ni, no, W2, b2.reshape(1, D), act=False, scale=False)

    atab, btab = _head_tc(h2, Wp1[:D], Wp1[D:], bp1.reshape(1, D))
    asrc, bdst = _edge_gather_kernel_fn()(atab, btab, src, dst)

    return _mlp_tc(asrc, bdst, Wp2, bp2.reshape(1, 64), Wp3, bp3.reshape(1, 1))

# --- scband reference (transcript-rebuilt; emitter-appended) ---
"""Pipeline reference for scband-gcn-lp-46600395161977 (READ-ONLY COPY).

The authoritative reference and input builder live on the scoring server;
editing this copy changes nothing except your own understanding.
"""

import jax, jax.numpy as jnp
import numpy as np

N = 10000
E = 320000
D = 128


def _gcn_layer(x, src, dst, W, b, n, act):
    # DGL GraphConv, norm='both': D_out^{-1/2} on src feats, scatter-add to dst, D_in^{-1/2}, then linear
    deg_out = jnp.zeros((n,), jnp.float32).at[src].add(1.0)
    deg_in = jnp.zeros((n,), jnp.float32).at[dst].add(1.0)
    norm_out = jnp.power(jnp.clip(deg_out, 1.0, None), -0.5)
    norm_in = jnp.power(jnp.clip(deg_in, 1.0, None), -0.5)
    h = x * norm_out[:, None]
    agg = jnp.zeros((n, h.shape[1]), h.dtype).at[dst].add(h[src])
    agg = agg * norm_in[:, None]
    out = agg @ W + b
    if act:
        out = jax.nn.relu(out)
    return out


def setup_inputs(seed: int = 0) -> dict:
    key = jax.random.key(seed)
    ks = jax.random.split(key, 12)
    x = jax.random.normal(ks[0], (N, D), dtype=jnp.float32)
    edge_index = jax.random.randint(ks[1], (2, E), 0, N, dtype=jnp.int64)
    s = 0.05
    W1 = jax.random.normal(ks[2], (D, 128), dtype=jnp.float32) * s
    b1 = jnp.zeros((128,), jnp.float32)
    W2 = jax.random.normal(ks[3], (128, 128), dtype=jnp.float32) * s
    b2 = jnp.zeros((128,), jnp.float32)
    Wp1 = jax.random.normal(ks[4], (256, 128), dtype=jnp.float32) * s
    bp1 = jnp.zeros((128,), jnp.float32)
    Wp2 = jax.random.normal(ks[5], (128, 64), dtype=jnp.float32) * s
    bp2 = jnp.zeros((64,), jnp.float32)
    Wp3 = jax.random.normal(ks[6], (64, 1), dtype=jnp.float32) * s
    bp3 = jnp.zeros((1,), jnp.float32)
    return {"x": x, "edge_index": edge_index, "W1": W1, "b1": b1, "W2": W2, "b2": b2,
            "Wp1": Wp1, "bp1": bp1, "Wp2": Wp2, "bp2": bp2, "Wp3": Wp3, "bp3": bp3}


def reference(x, edge_index, W1, b1, W2, b2, Wp1, bp1, Wp2, bp2, Wp3, bp3):
    src = edge_index[0]
    dst = edge_index[1]
    # GCN encoder: layer1 (relu), layer2 (no activation on final GraphConv)
    h = _gcn_layer(x, src, dst, W1, b1, N, True)
    h = _gcn_layer(h, src, dst, W2, b2, N, False)
    # link prediction over all graph edges
    emb = jnp.concatenate([h[src], h[dst]], axis=1)
    z = jax.nn.relu(emb @ Wp1 + bp1)
    z = jax.nn.relu(z @ Wp2 + bp2)
    z = z @ Wp3 + bp3
    return jax.nn.sigmoid(z)

if __name__ == "__main__":
    import jax
    _d = setup_inputs()
    print(jax.jit(kernel)(*tuple(_d.values())))

</pallas_src>

<mosaic_0001>
#map = affine_map<(d0, d1) -> (0, 0)>
#map1 = affine_map<(d0, d1) -> (0)>
#map2 = affine_map<(d0, d1) -> (0, 0, 0)>
module attributes {stable_mosaic.version = 14 : i64} {
  func.func @_spmm_body(%arg0: i32, %arg1: i32, %arg2: memref<10000x128xf32, #tpu.memory_space<hbm>>, %arg3: memref<320000xi32, #tpu.memory_space<hbm>>, %arg4: memref<320000xi32, #tpu.memory_space<hbm>>, %arg5: memref<2x10240x128xf32, #tpu.memory_space<hbm>>, %arg6: memref<80xi32, #tpu.memory_space<vmem>>, %arg7: memref<80xi32, #tpu.memory_space<vmem>>, %arg8: memref<80x128xf32, #tpu.memory_space<vmem>>, %arg9: memref<128x128xf32, #tpu.memory_space<vmem>>, %arg10: memref<10240x128xf32, #tpu.memory_space<vmem_shared>>, %arg11: memref<!tpu.dma_semaphore, #tpu.memory_space<semaphore_mem>>) attributes {dimension_semantics = [#tpu.dimension_semantics<core_parallel>, #tpu.dimension_semantics<subcore_parallel>], iteration_bounds = array<i64: 2, 16>, scalar_prefetch = 0 : i64, scratch_operands = 6 : i64, tpu.core_type = #tpu.core_type<sc_vector_subcore>, window_params = [{transform_indices = #map}, {transform_indices = #map1}, {transform_indices = #map1}, {transform_indices = #map2}]} {
    %mul3A = arith.constant 2 : i32
    %mul3A_0 = arith.muli %arg1, %mul3A : i32
    %add3A = arith.addi %mul3A_0, %arg0 : i32
    %scan3A = arith.constant 0 : i32
    %scan3A_1 = arith.constant 0 : i32
    %scan3A_2 = arith.constant 1024 : i32
    %scan3A_3 = arith.addi %scan3A_1, %scan3A_2 : i32
    %scan3A_4 = arith.constant 1 : i32
    %scan3A_5 = scf.for %scan3A_31 = %scan3A_1 to %scan3A_3 step %scan3A_4 iter_args(%scan3A_32 = %scan3A) -> (i32)  : i32 {
      %jit3A = arith.constant 8 : i32
      %div3A = arith.divsi %scan3A_31, %jit3A : i32
      %sign3A = arith.constant 0 : i32
      %sign3A_33 = arith.cmpi sgt, %scan3A_31, %sign3A : i32
      %sign3A_34 = arith.extui %sign3A_33 : i1 to i32
      %sign3A_35 = arith.constant 0 : i32
      %sign3A_36 = arith.cmpi slt, %scan3A_31, %sign3A_35 : i32
      %sign3A_37 = arith.extui %sign3A_36 : i1 to i32
      %sign3A_38 = arith.subi %sign3A_34, %sign3A_37 : i32
      %sign3A_39 = arith.constant 0 : i32
      %sign3A_40 = arith.cmpi sgt, %jit3A, %sign3A_39 : i32
      %sign3A_41 = arith.extui %sign3A_40 : i1 to i32
      %sign3A_42 = arith.constant 0 : i32
      %sign3A_43 = arith.cmpi slt, %jit3A, %sign3A_42 : i32
      %sign3A_44 = arith.extui %sign3A_43 : i1 to i32
      %sign3A_45 = arith.subi %sign3A_41, %sign3A_44 : i32
      %ne3A = arith.cmpi ne, %sign3A_38, %sign3A_45 : i32
      %rem3A = arith.remsi %scan3A_31, %jit3A : i32
      %ne3A_46 = arith.constant 0 : i32
      %ne3A_47 = arith.cmpi ne, %rem3A, %ne3A_46 : i32
      %and3A = arith.andi %ne3A, %ne3A_47 : i1
      %sub3A = arith.constant 1 : i32
      %sub3A_48 = arith.subi %div3A, %sub3A : i32
      %select_n3A = arith.select %and3A, %sub3A_48, %div3A : i32
      %jit3A_49 = arith.constant 8 : i32
      %eq3A = arith.constant 0 : i32
      %eq3A_50 = arith.cmpi eq, %jit3A_49, %eq3A : i32
      %jit3A_51 = arith.constant 1 : i32
      %select_n3A_52 = arith.select %eq3A_50, %jit3A_51, %jit3A_49 : i32
      %rem3A_53 = arith.remsi %scan3A_31, %select_n3A_52 : i32
      %ne3A_54 = arith.constant 0 : i32
      %ne3A_55 = arith.cmpi ne, %rem3A_53, %ne3A_54 : i32
      %lt3A = arith.constant 0 : i32
      %lt3A_56 = arith.cmpi slt, %rem3A_53, %lt3A : i32
      %lt3A_57 = arith.constant 0 : i32
      %lt3A_58 = arith.cmpi slt, %select_n3A_52, %lt3A_57 : i32
      %ne3A_59 = arith.xori %lt3A_56, %lt3A_58 : i1
      %and3A_60 = arith.andi %ne3A_59, %ne3A_55 : i1
      %add3A_61 = arith.addi %rem3A_53, %select_n3A_52 : i32
      %select_n3A_62 = arith.select %and3A_60, %add3A_61, %rem3A_53 : i32
      %broadcast_in_dim3A = arith.constant 0.000000e+00 : f32
      %broadcast_in_dim3A_63 = vector.broadcast %broadcast_in_dim3A : f32 to vector<16xf32>
      %mul3A_64 = arith.constant 16 : i32
      %mul3A_65 = arith.muli %select_n3A_62, %mul3A_64 : i32
      %swap3A = arith.index_cast %select_n3A : i32 to index
      %swap3A_66 = arith.index_cast %mul3A_65 : i32 to index
      %swap3A_67 = tpu.vector_load %arg9[%swap3A, %swap3A_66] {strides = array<i32>} : memref<128x128xf32, #tpu.memory_space<vmem>>, vector<1x16xf32>,
      %swap3A_68 = vector.shape_cast %swap3A_67 : vector<1x16xf32> to vector<16xf32>
      %swap3A_69 = vector.shape_cast %broadcast_in_dim3A_63 : vector<16xf32> to vector<1x16xf32>
      tpu.vector_store %arg9[%swap3A, %swap3A_66], %swap3A_69 {strides = array<i32>} : memref<128x128xf32, #tpu.memory_space<vmem>>, vector<1x16xf32>,
      %scan3A_70 = arith.constant 0 : i32
      scf.yield %scan3A_70 : i32
    }
    %scan3A_6 = arith.constant 1024 : i32
    %scan3A_7 = arith.constant 0 : i32
    %scan3A_8 = arith.constant 0 : i32
    %scan3A_9 = arith.constant 5 : i32
    %scan3A_10 = arith.addi %scan3A_8, %scan3A_9 : i32
    %scan3A_11 = arith.constant 1 : i32
    %scan3A_12 = scf.for %scan3A_31 = %scan3A_8 to %scan3A_10 step %scan3A_11 iter_args(%scan3A_32 = %scan3A_7) -> (i32)  : i32 {
      %mul3A_33 = arith.constant 640 : i32
      %mul3A_34 = arith.muli %arg1, %mul3A_33 : i32
      %mul3A_35 = arith.constant 128 : i32
      %mul3A_36 = arith.muli %scan3A_31, %mul3A_35 : i32
      %add3A_37 = arith.addi %mul3A_34, %mul3A_36 : i32
      "tpu.region"() ({
        %run_scoped3A = tpu.sem_alloc : memref<!tpu.dma_semaphore, #tpu.memory_space<semaphore_mem>>
        %dma_start3A = arith.constant 0 : i32
        %dma_start3A_39 = tpu.memref_slice %arg10[%add3A_37, %dma_start3A] : memref<10240x128xf32, #tpu.memory_space<vmem_shared>> -> memref<128x128xf32, #tpu.memory_space<vmem_shared>>
        %dma_start3A_40 = arith.constant 0 : i32
        %dma_start3A_41 = tpu.memref_slice %arg10[%add3A_37, %dma_start3A_40] : memref<10240x128xf32, #tpu.memory_space<vmem_shared>> -> memref<128x128xf32, #tpu.memory_space<vmem_shared>>
        tpu.enqueue_dma source(%arg9 : memref<128x128xf32, #tpu.memory_space<vmem>>) target(%dma_start3A_41 : memref<128x128xf32, #tpu.memory_space<vmem_shared>>) target_semaphore(%run_scoped3A : memref<!tpu.dma_semaphore, #tpu.memory_space<semaphore_mem>>)
        %dma_wait3A = arith.constant 0 : i32
        %dma_wait3A_42 = tpu.memref_slice %arg10[%add3A_37, %dma_wait3A] : memref<10240x128xf32, #tpu.memory_space<vmem_shared>> -> memref<128x128xf32, #tpu.memory_space<vmem_shared>>
        %dma_wait3A_43 = arith.constant 0 : i32
        %dma_wait3A_44 = tpu.memref_slice %arg10[%add3A_37, %dma_wait3A_43] : memref<10240x128xf32, #tpu.memory_space<vmem_shared>> -> memref<128x128xf32, #tpu.memory_space<vmem_shared>>
        tpu.wait_dma2 semaphore(%run_scoped3A : memref<!tpu.dma_semaphore, #tpu.memory_space<semaphore_mem>>) src(%arg9 : memref<128x128xf32, #tpu.memory_space<vmem>>) dst(%dma_wait3A_44 : memref<128x128xf32, #tpu.memory_space<vmem_shared>>)
        tpu.yield
      }) : () -> ()
      %scan3A_38 = arith.constant 0 : i32
      scf.yield %scan3A_38 : i32
    }
    %scan3A_13 = arith.constant 5 : i32
    %barrier3A = arith.constant 0 : index
    tpu.barrier barrier_id(%barrier3A)
    %mul3A_14 = arith.constant 10000 : i32
    %mul3A_15 = arith.muli %add3A, %mul3A_14 : i32
    %scan3A_16 = arith.constant 0 : i32
    %scan3A_17 = arith.constant 0 : i32
    %scan3A_18 = arith.constant 125 : i32
    %scan3A_19 = arith.addi %scan3A_17, %scan3A_18 : i32
    %scan3A_20 = arith.constant 1 : i32
    %scan3A_21 = scf.for %scan3A_31 = %scan3A_17 to %scan3A_19 step %scan3A_20 iter_args(%scan3A_32 = %scan3A_16) -> (i32)  : i32 {
      %mul3A_33 = arith.constant 80 : i32
      %mul3A_34 = arith.muli %scan3A_31, %mul3A_33 : i32
      %add3A_35 = arith.addi %mul3A_15, %mul3A_34 : i32
      "tpu.region"() ({
        %run_scoped3A = tpu.sem_alloc : memref<!tpu.dma_semaphore, #tpu.memory_space<semaphore_mem>>
        %dma_start3A_44 = tpu.memref_slice %arg3[%add3A_35] : memref<320000xi32, #tpu.memory_space<hbm>> -> memref<80xi32, #tpu.memory_space<hbm>>
        %dma_start3A_45 = tpu.memref_slice %arg3[%add3A_35] : memref<320000xi32, #tpu.memory_space<hbm>> -> memref<80xi32, #tpu.memory_space<hbm>>
        tpu.enqueue_dma source(%dma_start3A_45 : memref<80xi32, #tpu.memory_space<hbm>>) target(%arg6 : memref<80xi32, #tpu.memory_space<vmem>>) target_semaphore(%run_scoped3A : memref<!tpu.dma_semaphore, #tpu.memory_space<semaphore_mem>>)
        %dma_wait3A_46 = tpu.memref_slice %arg3[%add3A_35] : memref<320000xi32, #tpu.memory_space<hbm>> -> memref<80xi32, #tpu.memory_space<hbm>>
        %dma_wait3A_47 = tpu.memref_slice %arg3[%add3A_35] : memref<320000xi32, #tpu.memory_space<hbm>> -> memref<80xi32, #tpu.memory_space<hbm>>
        tpu.wait_dma2 semaphore(%run_scoped3A : memref<!tpu.dma_semaphore, #tpu.memory_space<semaphore_mem>>) src(%dma_wait3A_47 : memref<80xi32, #tpu.memory_space<hbm>>) dst(%arg6 : memref<80xi32, #tpu.memory_space<vmem>>)
        tpu.yield
      }) : () -> ()
      %mul3A_36 = arith.constant 80 : i32
      %mul3A_37 = arith.muli %scan3A_31, %mul3A_36 : i32
      %add3A_38 = arith.addi %mul3A_15, %mul3A_37 : i32
      "tpu.region"() ({
        %run_scoped3A = tpu.sem_alloc : memref<!tpu.dma_semaphore, #tpu.memory_space<semaphore_mem>>
        %dma_start3A_44 = tpu.memref_slice %arg4[%add3A_38] : memref<320000xi32, #tpu.memory_space<hbm>> -> memref<80xi32, #tpu.memory_space<hbm>>
        %dma_start3A_45 = tpu.memref_slice %arg4[%add3A_38] : memref<320000xi32, #tpu.memory_space<hbm>> -> memref<80xi32, #tpu.memory_space<hbm>>
        tpu.enqueue_dma source(%dma_start3A_45 : memref<80xi32, #tpu.memory_space<hbm>>) target(%arg7 : memref<80xi32, #tpu.memory_space<vmem>>) target_semaphore(%run_scoped3A : memref<!tpu.dma_semaphore, #tpu.memory_space<semaphore_mem>>)
        %dma_wait3A_46 = tpu.memref_slice %arg4[%add3A_38] : memref<320000xi32, #tpu.memory_space<hbm>> -> memref<80xi32, #tpu.memory_space<hbm>>
        %dma_wait3A_47 = tpu.memref_slice %arg4[%add3A_38] : memref<320000xi32, #tpu.memory_space<hbm>> -> memref<80xi32, #tpu.memory_space<hbm>>
        tpu.wait_dma2 semaphore(%run_scoped3A : memref<!tpu.dma_semaphore, #tpu.memory_space<semaphore_mem>>) src(%dma_wait3A_47 : memref<80xi32, #tpu.memory_space<hbm>>) dst(%arg7 : memref<80xi32, #tpu.memory_space<vmem>>)
        tpu.yield
      }) : () -> ()
      %dma_start3A = arith.constant 0 : i32
      %dma_start3A_39 = arith.constant 0 : i32
      %dma_start3A_40 = tpu.memref_slice %arg2[%dma_start3A, %dma_start3A_39] : memref<10000x128xf32, #tpu.memory_space<hbm>> -> memref<10000x128xf32, #tpu.memory_space<hbm>>
      tpu.enqueue_indirect_dma source(%dma_start3A_40 : memref<10000x128xf32, #tpu.memory_space<hbm>>) target(%arg8 : memref<80x128xf32, #tpu.memory_space<vmem>>) offsets(%arg6 : memref<80xi32, #tpu.memory_space<vmem>>) semaphore(%arg11 : memref<!tpu.dma_semaphore, #tpu.memory_space<semaphore_mem>>)
      %dma_wait3A = arith.constant 0 : i32
      %dma_wait3A_41 = arith.constant 0 : i32
      %dma_wait3A_42 = tpu.memref_slice %arg2[%dma_wait3A, %dma_wait3A_41] : memref<10000x128xf32, #tpu.memory_space<hbm>> -> memref<10000x128xf32, #tpu.memory_space<hbm>>
      tpu.wait_indirect_dma semaphore(%arg11 : memref<!tpu.dma_semaphore, #tpu.memory_space<semaphore_mem>>) src(%dma_wait3A_42 : memref<10000x128xf32, #tpu.memory_space<hbm>>) dst(%arg8 : memref<80x128xf32, #tpu.memory_space<vmem>>)
      "tpu.region"() ({
        %run_scoped3A = tpu.sem_alloc : memref<!tpu.dma_semaphore, #tpu.memory_space<semaphore_mem>>
        %dma_start3A_44 = arith.constant 0 : i32
        %dma_start3A_45 = arith.constant 0 : i32
        %dma_start3A_46 = tpu.memref_slice %arg10[%dma_start3A_44, %dma_start3A_45] : memref<10240x128xf32, #tpu.memory_space<vmem_shared>> -> memref<10240x128xf32, #tpu.memory_space<vmem_shared>>
        tpu.enqueue_indirect_dma source(%arg8 : memref<80x128xf32, #tpu.memory_space<vmem>>) target(%dma_start3A_46 : memref<10240x128xf32, #tpu.memory_space<vmem_shared>>) offsets(%arg7 : memref<80xi32, #tpu.memory_space<vmem>>) semaphore(%run_scoped3A : memref<!tpu.dma_semaphore, #tpu.memory_space<semaphore_mem>>) {add = true}
        %dma_wait3A_47 = arith.constant 0 : i32
        %dma_wait3A_48 = arith.constant 0 : i32
        %dma_wait3A_49 = tpu.memref_slice %arg10[%dma_wait3A_47, %dma_wait3A_48] : memref<10240x128xf32, #tpu.memory_space<vmem_shared>> -> memref<10240x128xf32, #tpu.memory_space<vmem_shared>>
        tpu.wait_indirect_dma semaphore(%run_scoped3A : memref<!tpu.dma_semaphore, #tpu.memory_space<semaphore_mem>>) src(%arg8 : memref<80x128xf32, #tpu.memory_space<vmem>>) dst(%dma_wait3A_49 : memref<10240x128xf32, #tpu.memory_space<vmem_shared>>)
        tpu.yield
      }) : () -> ()
      %scan3A_43 = arith.constant 0 : i32
      scf.yield %scan3A_43 : i32
    }
    %scan3A_22 = arith.constant 125 : i32
    %barrier3A_23 = arith.constant 0 : index
    tpu.barrier barrier_id(%barrier3A_23)
    %scan3A_24 = arith.constant 0 : i32
    %scan3A_25 = arith.constant 0 : i32
    %scan3A_26 = arith.constant 5 : i32
    %scan3A_27 = arith.addi %scan3A_25, %scan3A_26 : i32
    %scan3A_28 = arith.constant 1 : i32
    %scan3A_29 = scf.for %scan3A_31 = %scan3A_25 to %scan3A_27 step %scan3A_28 iter_args(%scan3A_32 = %scan3A_24) -> (i32)  : i32 {
      %mul3A_33 = arith.constant 640 : i32
      %mul3A_34 = arith.muli %arg1, %mul3A_33 : i32
      %mul3A_35 = arith.constant 128 : i32
      %mul3A_36 = arith.muli %scan3A_31, %mul3A_35 : i32
      %add3A_37 = arith.addi %mul3A_34, %mul3A_36 : i32
      "tpu.region"() ({
        %run_scoped3A = tpu.sem_alloc : memref<!tpu.dma_semaphore, #tpu.memory_space<semaphore_mem>>
        %dma_start3A = arith.constant 0 : i32
        %dma_start3A_39 = tpu.memref_slice %arg10[%add3A_37, %dma_start3A] : memref<10240x128xf32, #tpu.memory_space<vmem_shared>> -> memref<128x128xf32, #tpu.memory_space<vmem_shared>>
        %dma_start3A_40 = arith.constant 0 : i32
        %dma_start3A_41 = tpu.memref_slice %arg10[%add3A_37, %dma_start3A_40] : memref<10240x128xf32, #tpu.memory_space<vmem_shared>> -> memref<128x128xf32, #tpu.memory_space<vmem_shared>>
        tpu.enqueue_dma source(%dma_start3A_41 : memref<128x128xf32, #tpu.memory_space<vmem_shared>>) target(%arg9 : memref<128x128xf32, #tpu.memory_space<vmem>>) target_semaphore(%run_scoped3A : memref<!tpu.dma_semaphore, #tpu.memory_space<semaphore_mem>>)
        %dma_wait3A = arith.constant 0 : i32
        %dma_wait3A_42 = tpu.memref_slice %arg10[%add3A_37, %dma_wait3A] : memref<10240x128xf32, #tpu.memory_space<vmem_shared>> -> memref<128x128xf32, #tpu.memory_space<vmem_shared>>
        %dma_wait3A_43 = arith.constant 0 : i32
        %dma_wait3A_44 = tpu.memref_slice %arg10[%add3A_37, %dma_wait3A_43] : memref<10240x128xf32, #tpu.memory_space<vmem_shared>> -> memref<128x128xf32, #tpu.memory_space<vmem_shared>>
        tpu.wait_dma2 semaphore(%run_scoped3A : memref<!tpu.dma_semaphore, #tpu.memory_space<semaphore_mem>>) src(%dma_wait3A_44 : memref<128x128xf32, #tpu.memory_space<vmem_shared>>) dst(%arg9 : memref<128x128xf32, #tpu.memory_space<vmem>>)
        tpu.yield
      }) : () -> ()
      "tpu.region"() ({
        %run_scoped3A = tpu.sem_alloc : memref<!tpu.dma_semaphore, #tpu.memory_space<semaphore_mem>>
        %dma_start3A = arith.constant 0 : i32
        %dma_start3A_39 = tpu.memref_slice %arg5[%arg0, %add3A_37, %dma_start3A] : memref<2x10240x128xf32, #tpu.memory_space<hbm>> -> memref<1x128x128xf32, #tpu.memory_space<hbm>>
        %dma_start3A_40 = tpu.memref_squeeze %dma_start3A_39 : memref<1x128x128xf32, #tpu.memory_space<hbm>> -> memref<128x128xf32, #tpu.memory_space<hbm>>
        %dma_start3A_41 = arith.constant 0 : i32
        %dma_start3A_42 = tpu.memref_slice %arg5[%arg0, %add3A_37, %dma_start3A_41] : memref<2x10240x128xf32, #tpu.memory_space<hbm>> -> memref<1x128x128xf32, #tpu.memory_space<hbm>>
        %dma_start3A_43 = tpu.memref_squeeze %dma_start3A_42 : memref<1x128x128xf32, #tpu.memory_space<hbm>> -> memref<128x128xf32, #tpu.memory_space<hbm>>
        tpu.enqueue_dma source(%arg9 : memref<128x128xf32, #tpu.memory_space<vmem>>) target(%dma_start3A_43 : memref<128x128xf32, #tpu.memory_space<hbm>>) target_semaphore(%run_scoped3A : memref<!tpu.dma_semaphore, #tpu.memory_space<semaphore_mem>>)
        %dma_wait3A = arith.constant 0 : i32
        %dma_wait3A_44 = tpu.memref_slice %arg5[%arg0, %add3A_37, %dma_wait3A] : memref<2x10240x128xf32, #tpu.memory_space<hbm>> -> memref<1x128x128xf32, #tpu.memory_space<hbm>>
        %dma_wait3A_45 = tpu.memref_squeeze %dma_wait3A_44 : memref<1x128x128xf32, #tpu.memory_space<hbm>> -> memref<128x128xf32, #tpu.memory_space<hbm>>
        %dma_wait3A_46 = arith.constant 0 : i32
        %dma_wait3A_47 = tpu.memref_slice %arg5[%arg0, %add3A_37, %dma_wait3A_46] : memref<2x10240x128xf32, #tpu.memory_space<hbm>> -> memref<1x128x128xf32, #tpu.memory_space<hbm>>
        %dma_wait3A_48 = tpu.memref_squeeze %dma_wait3A_47 : memref<1x128x128xf32, #tpu.memory_space<hbm>> -> memref<128x128xf32, #tpu.memory_space<hbm>>
        tpu.wait_dma2 semaphore(%run_scoped3A : memref<!tpu.dma_semaphore, #tpu.memory_space<semaphore_mem>>) src(%arg9 : memref<128x128xf32, #tpu.memory_space<vmem>>) dst(%dma_wait3A_48 : memref<128x128xf32, #tpu.memory_space<hbm>>)
        tpu.yield
      }) : () -> ()
      %scan3A_38 = arith.constant 0 : i32
      scf.yield %scan3A_38 : i32
    }
    %scan3A_30 = arith.constant 5 : i32
    return
  }
}

#map = affine_map<(d0, d1) -> (0)>
#map1 = affine_map<(d0, d1) -> (0, 0)>
module attributes {stable_mosaic.version = 14 : i64} {
  func.func @_deg_body(%arg0: i32, %arg1: i32, %arg2: memref<640000xi32, #tpu.memory_space<hbm>>, %arg3: memref<2x20000xf32, #tpu.memory_space<hbm>>, %arg4: memref<80xi32, #tpu.memory_space<vmem>>, %arg5: memref<80xf32, #tpu.memory_space<vmem>>, %arg6: memref<20000xf32, #tpu.memory_space<vmem>>, %arg7: memref<20000xf32, #tpu.memory_space<vmem_shared>>) attributes {dimension_semantics = [#tpu.dimension_semantics<core_parallel>, #tpu.dimension_semantics<subcore_parallel>], iteration_bounds = array<i64: 2, 16>, scalar_prefetch = 0 : i64, scratch_operands = 4 : i64, tpu.core_type = #tpu.core_type<sc_vector_subcore>, window_params = [{transform_indices = #map}, {transform_indices = #map1}]} {
    %mul3A = arith.constant 2 : i32
    %mul3A_0 = arith.muli %arg1, %mul3A : i32
    %add3A = arith.addi %mul3A_0, %arg0 : i32
    %scan3A = arith.constant 0 : i32
    %scan3A_1 = arith.constant 0 : i32
    %scan3A_2 = arith.constant 5 : i32
    %scan3A_3 = arith.addi %scan3A_1, %scan3A_2 : i32
    %scan3A_4 = arith.constant 1 : i32
    %scan3A_5 = scf.for %scan3A_24 = %scan3A_1 to %scan3A_3 step %scan3A_4 iter_args(%scan3A_25 = %scan3A) -> (i32)  : i32 {
      %broadcast_in_dim3A = arith.constant 1.000000e+00 : f32
      %broadcast_in_dim3A_26 = vector.broadcast %broadcast_in_dim3A : f32 to vector<16xf32>
      %mul3A_27 = arith.constant 16 : i32
      %mul3A_28 = arith.muli %scan3A_24, %mul3A_27 : i32
      %swap3A = arith.index_cast %mul3A_28 : i32 to index
      %swap3A_29 = tpu.vector_load %arg5[%swap3A] {strides = array<i32>} : memref<80xf32, #tpu.memory_space<vmem>>, vector<16xf32>,
      %swap3A_30 = vector.shape_cast %swap3A_29 : vector<16xf32> to vector<16xf32>
      %swap3A_31 = vector.shape_cast %broadcast_in_dim3A_26 : vector<16xf32> to vector<16xf32>
      tpu.vector_store %arg5[%swap3A], %swap3A_31 {strides = array<i32>} : memref<80xf32, #tpu.memory_space<vmem>>, vector<16xf32>,
      %scan3A_32 = arith.constant 0 : i32
      scf.yield %scan3A_32 : i32
    }
    %scan3A_6 = arith.constant 5 : i32
    %eq3A = arith.constant 0 : i32
    %eq3A_7 = arith.cmpi eq, %arg1, %eq3A : i32
    %convert_element_type3A = arith.extui %eq3A_7 : i1 to i32
    %cond3A = arith.constant 0 : i32
    %cond3A_8 = arith.cmpi ne, %convert_element_type3A, %cond3A : i32
    scf.if %cond3A_8 {
      %scan3A_24 = arith.constant 0 : i32
      %scan3A_25 = arith.constant 0 : i32
      %scan3A_26 = arith.constant 1250 : i32
      %scan3A_27 = arith.addi %scan3A_25, %scan3A_26 : i32
      %scan3A_28 = arith.constant 1 : i32
      %scan3A_29 = scf.for %scan3A_31 = %scan3A_25 to %scan3A_27 step %scan3A_28 iter_args(%scan3A_32 = %scan3A_24) -> (i32)  : i32 {
        %broadcast_in_dim3A = arith.constant 0.000000e+00 : f32
        %broadcast_in_dim3A_33 = vector.broadcast %broadcast_in_dim3A : f32 to vector<16xf32>
        %mul3A_34 = arith.constant 16 : i32
        %mul3A_35 = arith.muli %scan3A_31, %mul3A_34 : i32
        %swap3A = arith.index_cast %mul3A_35 : i32 to index
        %swap3A_36 = tpu.vector_load %arg6[%swap3A] {strides = array<i32>} : memref<20000xf32, #tpu.memory_space<vmem>>, vector<16xf32>,
        %swap3A_37 = vector.shape_cast %swap3A_36 : vector<16xf32> to vector<16xf32>
        %swap3A_38 = vector.shape_cast %broadcast_in_dim3A_33 : vector<16xf32> to vector<16xf32>
        tpu.vector_store %arg6[%swap3A], %swap3A_38 {strides = array<i32>} : memref<20000xf32, #tpu.memory_space<vmem>>, vector<16xf32>,
        %scan3A_39 = arith.constant 0 : i32
        scf.yield %scan3A_39 : i32
      }
      %scan3A_30 = arith.constant 1250 : i32
      "tpu.region"() ({
        %run_scoped3A = tpu.sem_alloc : memref<!tpu.dma_semaphore, #tpu.memory_space<semaphore_mem>>
        tpu.enqueue_dma source(%arg6 : memref<20000xf32, #tpu.memory_space<vmem>>) target(%arg7 : memref<20000xf32, #tpu.memory_space<vmem_shared>>) target_semaphore(%run_scoped3A : memref<!tpu.dma_semaphore, #tpu.memory_space<semaphore_mem>>)
        tpu.wait_dma2 semaphore(%run_scoped3A : memref<!tpu.dma_semaphore, #tpu.memory_space<semaphore_mem>>) src(%arg6 : memref<20000xf32, #tpu.memory_space<vmem>>) dst(%arg7 : memref<20000xf32, #tpu.memory_space<vmem_shared>>)
        tpu.yield
      }) : () -> ()
    } else {
    }
    %barrier3A = arith.constant 0 : index
    tpu.barrier barrier_id(%barrier3A)
    %mul3A_9 = arith.constant 20000 : i32
    %mul3A_10 = arith.muli %add3A, %mul3A_9 : i32
    %scan3A_11 = arith.constant 0 : i32
    %scan3A_12 = arith.constant 0 : i32
    %scan3A_13 = arith.constant 250 : i32
    %scan3A_14 = arith.addi %scan3A_12, %scan3A_13 : i32
    %scan3A_15 = arith.constant 1 : i32
    %scan3A_16 = scf.for %scan3A_24 = %scan3A_12 to %scan3A_14 step %scan3A_15 iter_args(%scan3A_25 = %scan3A_11) -> (i32)  : i32 {
      %mul3A_26 = arith.constant 80 : i32
      %mul3A_27 = arith.muli %scan3A_24, %mul3A_26 : i32
      %add3A_28 = arith.addi %mul3A_10, %mul3A_27 : i32
      "tpu.region"() ({
        %run_scoped3A = tpu.sem_alloc : memref<!tpu.dma_semaphore, #tpu.memory_space<semaphore_mem>>
        %dma_start3A = tpu.memref_slice %arg2[%add3A_28] : memref<640000xi32, #tpu.memory_space<hbm>> -> memref<80xi32, #tpu.memory_space<hbm>>
        %dma_start3A_30 = tpu.memref_slice %arg2[%add3A_28] : memref<640000xi32, #tpu.memory_space<hbm>> -> memref<80xi32, #tpu.memory_space<hbm>>
        tpu.enqueue_dma source(%dma_start3A_30 : memref<80xi32, #tpu.memory_space<hbm>>) target(%arg4 : memref<80xi32, #tpu.memory_space<vmem>>) target_semaphore(%run_scoped3A : memref<!tpu.dma_semaphore, #tpu.memory_space<semaphore_mem>>)
        %dma_wait3A = tpu.memref_slice %arg2[%add3A_28] : memref<640000xi32, #tpu.memory_space<hbm>> -> memref<80xi32, #tpu.memory_space<hbm>>
        %dma_wait3A_31 = tpu.memref_slice %arg2[%add3A_28] : memref<640000xi32, #tpu.memory_space<hbm>> -> memref<80xi32, #tpu.memory_space<hbm>>
        tpu.wait_dma2 semaphore(%run_scoped3A : memref<!tpu.dma_semaphore, #tpu.memory_space<semaphore_mem>>) src(%dma_wait3A_31 : memref<80xi32, #tpu.memory_space<hbm>>) dst(%arg4 : memref<80xi32, #tpu.memory_space<vmem>>)
        tpu.yield
      }) : () -> ()
      "tpu.region"() ({
        %run_scoped3A = tpu.sem_alloc : memref<!tpu.dma_semaphore, #tpu.memory_space<semaphore_mem>>
        %dma_start3A = arith.constant 0 : i32
        %dma_start3A_30 = tpu.memref_slice %arg7[%dma_start3A] : memref<20000xf32, #tpu.memory_space<vmem_shared>> -> memref<20000xf32, #tpu.memory_space<vmem_shared>>
        tpu.enqueue_indirect_dma source(%arg5 : memref<80xf32, #tpu.memory_space<vmem>>) target(%dma_start3A_30 : memref<20000xf32, #tpu.memory_space<vmem_shared>>) offsets(%arg4 : memref<80xi32, #tpu.memory_space<vmem>>) semaphore(%run_scoped3A : memref<!tpu.dma_semaphore, #tpu.memory_space<semaphore_mem>>) {add = true}
        %dma_wait3A = arith.constant 0 : i32
        %dma_wait3A_31 = tpu.memref_slice %arg7[%dma_wait3A] : memref<20000xf32, #tpu.memory_space<vmem_shared>> -> memref<20000xf32, #tpu.memory_space<vmem_shared>>
        tpu.wait_indirect_dma semaphore(%run_scoped3A : memref<!tpu.dma_semaphore, #tpu.memory_space<semaphore_mem>>) src(%arg5 : memref<80xf32, #tpu.memory_space<vmem>>) dst(%dma_wait3A_31 : memref<20000xf32, #tpu.memory_space<vmem_shared>>)
        tpu.yield
      }) : () -> ()
      %scan3A_29 = arith.constant 0 : i32
      scf.yield %scan3A_29 : i32
    }
    %scan3A_17 = arith.constant 250 : i32
    %barrier3A_18 = arith.constant 0 : index
    tpu.barrier barrier_id(%barrier3A_18)
    %eq3A_19 = arith.constant 0 : i32
    %eq3A_20 = arith.cmpi eq, %arg1, %eq3A_19 : i32
    %convert_element_type3A_21 = arith.extui %eq3A_20 : i1 to i32
    %cond3A_22 = arith.constant 0 : i32
    %cond3A_23 = arith.cmpi ne, %convert_element_type3A_21, %cond3A_22 : i32
    scf.if %cond3A_23 {
      "tpu.region"() ({
        %run_scoped3A = tpu.sem_alloc : memref<!tpu.dma_semaphore, #tpu.memory_space<semaphore_mem>>
        tpu.enqueue_dma source(%arg7 : memref<20000xf32, #tpu.memory_space<vmem_shared>>) target(%arg6 : memref<20000xf32, #tpu.memory_space<vmem>>) target_semaphore(%run_scoped3A : memref<!tpu.dma_semaphore, #tpu.memory_space<semaphore_mem>>)
        tpu.wait_dma2 semaphore(%run_scoped3A : memref<!tpu.dma_semaphore, #tpu.memory_space<semaphore_mem>>) src(%arg7 : memref<20000xf32, #tpu.memory_space<vmem_shared>>) dst(%arg6 : memref<20000xf32, #tpu.memory_space<vmem>>)
        tpu.yield
      }) : () -> ()
      "tpu.region"() ({
        %run_scoped3A = tpu.sem_alloc : memref<!tpu.dma_semaphore, #tpu.memory_space<semaphore_mem>>
        %dma_start3A = arith.constant 0 : i32
        %dma_start3A_24 = tpu.memref_slice %arg3[%arg0, %dma_start3A] : memref<2x20000xf32, #tpu.memory_space<hbm>> -> memref<1x20000xf32, #tpu.memory_space<hbm>>
        %dma_start3A_25 = tpu.memref_squeeze %dma_start3A_24 : memref<1x20000xf32, #tpu.memory_space<hbm>> -> memref<20000xf32, #tpu.memory_space<hbm>>
        %dma_start3A_26 = arith.constant 0 : i32
        %dma_start3A_27 = tpu.memref_slice %arg3[%arg0, %dma_start3A_26] : memref<2x20000xf32, #tpu.memory_space<hbm>> -> memref<1x20000xf32, #tpu.memory_space<hbm>>
        %dma_start3A_28 = tpu.memref_squeeze %dma_start3A_27 : memref<1x20000xf32, #tpu.memory_space<hbm>> -> memref<20000xf32, #tpu.memory_space<hbm>>
        tpu.enqueue_dma source(%arg6 : memref<20000xf32, #tpu.memory_space<vmem>>) target(%dma_start3A_28 : memref<20000xf32, #tpu.memory_space<hbm>>) target_semaphore(%run_scoped3A : memref<!tpu.dma_semaphore, #tpu.memory_space<semaphore_mem>>)
        %dma_wait3A = arith.constant 0 : i32
        %dma_wait3A_29 = tpu.memref_slice %arg3[%arg0, %dma_wait3A] : memref<2x20000xf32, #tpu.memory_space<hbm>> -> memref<1x20000xf32, #tpu.memory_space<hbm>>
        %dma_wait3A_30 = tpu.memref_squeeze %dma_wait3A_29 : memref<1x20000xf32, #tpu.memory_space<hbm>> -> memref<20000xf32, #tpu.memory_space<hbm>>
        %dma_wait3A_31 = arith.constant 0 : i32
        %dma_wait3A_32 = tpu.memref_slice %arg3[%arg0, %dma_wait3A_31] : memref<2x20000xf32, #tpu.memory_space<hbm>> -> memref<1x20000xf32, #tpu.memory_space<hbm>>
        %dma_wait3A_33 = tpu.memref_squeeze %dma_wait3A_32 : memref<1x20000xf32, #tpu.memory_space<hbm>> -> memref<20000xf32, #tpu.memory_space<hbm>>
        tpu.wait_dma2 semaphore(%run_scoped3A : memref<!tpu.dma_semaphore, #tpu.memory_space<semaphore_mem>>) src(%arg6 : memref<20000xf32, #tpu.memory_space<vmem>>) dst(%dma_wait3A_33 : memref<20000xf32, #tpu.memory_space<hbm>>)
        tpu.yield
      }) : () -> ()
    } else {
    }
    return
  }
}

#map = affine_map<(d0, d1) -> (0, 0)>
#map1 = affine_map<(d0, d1) -> (0)>
module attributes {stable_mosaic.version = 14 : i64} {
  func.func @_edge_gather_body(%arg0: i32, %arg1: i32, %arg2: memref<10000x128xf32, #tpu.memory_space<hbm>>, %arg3: memref<10000x128xf32, #tpu.memory_space<hbm>>, %arg4: memref<320000xi32, #tpu.memory_space<hbm>>, %arg5: memref<320000xi32, #tpu.memory_space<hbm>>, %arg6: memref<320000x128xf32, #tpu.memory_space<hbm>>, %arg7: memref<320000x128xf32, #tpu.memory_space<hbm>>, %arg8: memref<80xi32, #tpu.memory_space<vmem>>, %arg9: memref<80xi32, #tpu.memory_space<vmem>>, %arg10: memref<80x128xf32, #tpu.memory_space<vmem>>, %arg11: memref<80x128xf32, #tpu.memory_space<vmem>>, %arg12: memref<!tpu.dma_semaphore, #tpu.memory_space<semaphore_mem>>, %arg13: memref<!tpu.dma_semaphore, #tpu.memory_space<semaphore_mem>>) attributes {dimension_semantics = [#tpu.dimension_semantics<core_parallel>, #tpu.dimension_semantics<subcore_parallel>], iteration_bounds = array<i64: 2, 16>, scalar_prefetch = 0 : i64, scratch_operands = 6 : i64, tpu.core_type = #tpu.core_type<sc_vector_subcore>, window_params = [{transform_indices = #map}, {transform_indices = #map}, {transform_indices = #map1}, {transform_indices = #map1}, {transform_indices = #map}, {transform_indices = #map}]} {
    %mul3A = arith.constant 2 : i32
    %mul3A_0 = arith.muli %arg1, %mul3A : i32
    %add3A = arith.addi %mul3A_0, %arg0 : i32
    %mul3A_1 = arith.constant 10000 : i32
    %mul3A_2 = arith.muli %add3A, %mul3A_1 : i32
    %scan3A = arith.constant 0 : i32
    %scan3A_3 = arith.constant 0 : i32
    %scan3A_4 = arith.constant 125 : i32
    %scan3A_5 = arith.addi %scan3A_3, %scan3A_4 : i32
    %scan3A_6 = arith.constant 1 : i32
    %scan3A_7 = scf.for %scan3A_9 = %scan3A_3 to %scan3A_5 step %scan3A_6 iter_args(%scan3A_10 = %scan3A) -> (i32)  : i32 {
      %mul3A_11 = arith.constant 80 : i32
      %mul3A_12 = arith.muli %scan3A_9, %mul3A_11 : i32
      %add3A_13 = arith.addi %mul3A_2, %mul3A_12 : i32
      "tpu.region"() ({
        %run_scoped3A = tpu.sem_alloc : memref<!tpu.dma_semaphore, #tpu.memory_space<semaphore_mem>>
        %dma_start3A_25 = tpu.memref_slice %arg4[%add3A_13] : memref<320000xi32, #tpu.memory_space<hbm>> -> memref<80xi32, #tpu.memory_space<hbm>>
        %dma_start3A_26 = tpu.memref_slice %arg4[%add3A_13] : memref<320000xi32, #tpu.memory_space<hbm>> -> memref<80xi32, #tpu.memory_space<hbm>>
        tpu.enqueue_dma source(%dma_start3A_26 : memref<80xi32, #tpu.memory_space<hbm>>) target(%arg8 : memref<80xi32, #tpu.memory_space<vmem>>) target_semaphore(%run_scoped3A : memref<!tpu.dma_semaphore, #tpu.memory_space<semaphore_mem>>)
        %dma_wait3A_27 = tpu.memref_slice %arg4[%add3A_13] : memref<320000xi32, #tpu.memory_space<hbm>> -> memref<80xi32, #tpu.memory_space<hbm>>
        %dma_wait3A_28 = tpu.memref_slice %arg4[%add3A_13] : memref<320000xi32, #tpu.memory_space<hbm>> -> memref<80xi32, #tpu.memory_space<hbm>>
        tpu.wait_dma2 semaphore(%run_scoped3A : memref<!tpu.dma_semaphore, #tpu.memory_space<semaphore_mem>>) src(%dma_wait3A_28 : memref<80xi32, #tpu.memory_space<hbm>>) dst(%arg8 : memref<80xi32, #tpu.memory_space<vmem>>)
        tpu.yield
      }) : () -> ()
      "tpu.region"() ({
        %run_scoped3A = tpu.sem_alloc : memref<!tpu.dma_semaphore, #tpu.memory_space<semaphore_mem>>
        %dma_start3A_25 = tpu.memref_slice %arg5[%add3A_13] : memref<320000xi32, #tpu.memory_space<hbm>> -> memref<80xi32, #tpu.memory_space<hbm>>
        %dma_start3A_26 = tpu.memref_slice %arg5[%add3A_13] : memref<320000xi32, #tpu.memory_space<hbm>> -> memref<80xi32, #tpu.memory_space<hbm>>
        tpu.enqueue_dma source(%dma_start3A_26 : memref<80xi32, #tpu.memory_space<hbm>>) target(%arg9 : memref<80xi32, #tpu.memory_space<vmem>>) target_semaphore(%run_scoped3A : memref<!tpu.dma_semaphore, #tpu.memory_space<semaphore_mem>>)
        %dma_wait3A_27 = tpu.memref_slice %arg5[%add3A_13] : memref<320000xi32, #tpu.memory_space<hbm>> -> memref<80xi32, #tpu.memory_space<hbm>>
        %dma_wait3A_28 = tpu.memref_slice %arg5[%add3A_13] : memref<320000xi32, #tpu.memory_space<hbm>> -> memref<80xi32, #tpu.memory_space<hbm>>
        tpu.wait_dma2 semaphore(%run_scoped3A : memref<!tpu.dma_semaphore, #tpu.memory_space<semaphore_mem>>) src(%dma_wait3A_28 : memref<80xi32, #tpu.memory_space<hbm>>) dst(%arg9 : memref<80xi32, #tpu.memory_space<vmem>>)
        tpu.yield
      }) : () -> ()
      %dma_start3A = arith.constant 0 : i32
      %dma_start3A_14 = arith.constant 0 : i32
      %dma_start3A_15 = tpu.memref_slice %arg2[%dma_start3A, %dma_start3A_14] : memref<10000x128xf32, #tpu.memory_space<hbm>> -> memref<10000x128xf32, #tpu.memory_space<hbm>>
      tpu.enqueue_indirect_dma source(%dma_start3A_15 : memref<10000x128xf32, #tpu.memory_space<hbm>>) target(%arg10 : memref<80x128xf32, #tpu.memory_space<vmem>>) offsets(%arg8 : memref<80xi32, #tpu.memory_space<vmem>>) semaphore(%arg12 : memref<!tpu.dma_semaphore, #tpu.memory_space<semaphore_mem>>)
      %dma_start3A_16 = arith.constant 0 : i32
      %dma_start3A_17 = arith.constant 0 : i32
      %dma_start3A_18 = tpu.memref_slice %arg3[%dma_start3A_16, %dma_start3A_17] : memref<10000x128xf32, #tpu.memory_space<hbm>> -> memref<10000x128xf32, #tpu.memory_space<hbm>>
      tpu.enqueue_indirect_dma source(%dma_start3A_18 : memref<10000x128xf32, #tpu.memory_space<hbm>>) target(%arg11 : memref<80x128xf32, #tpu.memory_space<vmem>>) offsets(%arg9 : memref<80xi32, #tpu.memory_space<vmem>>) semaphore(%arg13 : memref<!tpu.dma_semaphore, #tpu.memory_space<semaphore_mem>>)
      %dma_wait3A = arith.constant 0 : i32
      %dma_wait3A_19 = arith.constant 0 : i32
      %dma_wait3A_20 = tpu.memref_slice %arg2[%dma_wait3A, %dma_wait3A_19] : memref<10000x128xf32, #tpu.memory_space<hbm>> -> memref<10000x128xf32, #tpu.memory_space<hbm>>
      tpu.wait_indirect_dma semaphore(%arg12 : memref<!tpu.dma_semaphore, #tpu.memory_space<semaphore_mem>>) src(%dma_wait3A_20 : memref<10000x128xf32, #tpu.memory_space<hbm>>) dst(%arg10 : memref<80x128xf32, #tpu.memory_space<vmem>>)
      "tpu.region"() ({
        %run_scoped3A = tpu.sem_alloc : memref<!tpu.dma_semaphore, #tpu.memory_space<semaphore_mem>>
        %dma_start3A_25 = arith.constant 0 : i32
        %dma_start3A_26 = tpu.memref_slice %arg6[%add3A_13, %dma_start3A_25] : memref<320000x128xf32, #tpu.memory_space<hbm>> -> memref<80x128xf32, #tpu.memory_space<hbm>>
        %dma_start3A_27 = arith.constant 0 : i32
        %dma_start3A_28 = tpu.memref_slice %arg6[%add3A_13, %dma_start3A_27] : memref<320000x128xf32, #tpu.memory_space<hbm>> -> memref<80x128xf32, #tpu.memory_space<hbm>>
        tpu.enqueue_dma source(%arg10 : memref<80x128xf32, #tpu.memory_space<vmem>>) target(%dma_start3A_28 : memref<80x128xf32, #tpu.memory_space<hbm>>) target_semaphore(%run_scoped3A : memref<!tpu.dma_semaphore, #tpu.memory_space<semaphore_mem>>)
        %dma_wait3A_29 = arith.constant 0 : i32
        %dma_wait3A_30 = tpu.memref_slice %arg6[%add3A_13, %dma_wait3A_29] : memref<320000x128xf32, #tpu.memory_space<hbm>> -> memref<80x128xf32, #tpu.memory_space<hbm>>
        %dma_wait3A_31 = arith.constant 0 : i32
        %dma_wait3A_32 = tpu.memref_slice %arg6[%add3A_13, %dma_wait3A_31] : memref<320000x128xf32, #tpu.memory_space<hbm>> -> memref<80x128xf32, #tpu.memory_space<hbm>>
        tpu.wait_dma2 semaphore(%run_scoped3A : memref<!tpu.dma_semaphore, #tpu.memory_space<semaphore_mem>>) src(%arg10 : memref<80x128xf32, #tpu.memory_space<vmem>>) dst(%dma_wait3A_32 : memref<80x128xf32, #tpu.memory_space<hbm>>)
        tpu.yield
      }) : () -> ()
      %dma_wait3A_21 = arith.constant 0 : i32
      %dma_wait3A_22 = arith.constant 0 : i32
      %dma_wait3A_23 = tpu.memref_slice %arg3[%dma_wait3A_21, %dma_wait3A_22] : memref<10000x128xf32, #tpu.memory_space<hbm>> -> memref<10000x128xf32, #tpu.memory_space<hbm>>
      tpu.wait_indirect_dma semaphore(%arg13 : memref<!tpu.dma_semaphore, #tpu.memory_space<semaphore_mem>>) src(%dma_wait3A_23 : memref<10000x128xf32, #tpu.memory_space<hbm>>) dst(%arg11 : memref<80x128xf32, #tpu.memory_space<vmem>>)
      "tpu.region"() ({
        %run_scoped3A = tpu.sem_alloc : memref<!tpu.dma_semaphore, #tpu.memory_space<semaphore_mem>>
        %dma_start3A_25 = arith.constant 0 : i32
        %dma_start3A_26 = tpu.memref_slice %arg7[%add3A_13, %dma_start3A_25] : memref<320000x128xf32, #tpu.memory_space<hbm>> -> memref<80x128xf32, #tpu.memory_space<hbm>>
        %dma_start3A_27 = arith.constant 0 : i32
        %dma_start3A_28 = tpu.memref_slice %arg7[%add3A_13, %dma_start3A_27] : memref<320000x128xf32, #tpu.memory_space<hbm>> -> memref<80x128xf32, #tpu.memory_space<hbm>>
        tpu.enqueue_dma source(%arg11 : memref<80x128xf32, #tpu.memory_space<vmem>>) target(%dma_start3A_28 : memref<80x128xf32, #tpu.memory_space<hbm>>) target_semaphore(%run_scoped3A : memref<!tpu.dma_semaphore, #tpu.memory_space<semaphore_mem>>)
        %dma_wait3A_29 = arith.constant 0 : i32
        %dma_wait3A_30 = tpu.memref_slice %arg7[%add3A_13, %dma_wait3A_29] : memref<320000x128xf32, #tpu.memory_space<hbm>> -> memref<80x128xf32, #tpu.memory_space<hbm>>
        %dma_wait3A_31 = arith.constant 0 : i32
        %dma_wait3A_32 = tpu.memref_slice %arg7[%add3A_13, %dma_wait3A_31] : memref<320000x128xf32, #tpu.memory_space<hbm>> -> memref<80x128xf32, #tpu.memory_space<hbm>>
        tpu.wait_dma2 semaphore(%run_scoped3A : memref<!tpu.dma_semaphore, #tpu.memory_space<semaphore_mem>>) src(%arg11 : memref<80x128xf32, #tpu.memory_space<vmem>>) dst(%dma_wait3A_32 : memref<80x128xf32, #tpu.memory_space<hbm>>)
        tpu.yield
      }) : () -> ()
      %scan3A_24 = arith.constant 0 : i32
      scf.yield %scan3A_24 : i32
    }
    %scan3A_8 = arith.constant 125 : i32
    return
  }
}

#map = affine_map<(d0, d1) -> (0, 0)>
#map1 = affine_map<(d0, d1) -> (0)>
#map2 = affine_map<(d0, d1) -> (0, 0, 0)>
module attributes {stable_mosaic.version = 14 : i64} {
  func.func @_spmm_body(%arg0: i32, %arg1: i32, %arg2: memref<10000x128xf32, #tpu.memory_space<hbm>>, %arg3: memref<320000xi32, #tpu.memory_space<hbm>>, %arg4: memref<320000xi32, #tpu.memory_space<hbm>>, %arg5: memref<2x10240x128xf32, #tpu.memory_space<hbm>>, %arg6: memref<80xi32, #tpu.memory_space<vmem>>, %arg7: memref<80xi32, #tpu.memory_space<vmem>>, %arg8: memref<80x128xf32, #tpu.memory_space<vmem>>, %arg9: memref<128x128xf32, #tpu.memory_space<vmem>>, %arg10: memref<10240x128xf32, #tpu.memory_space<vmem_shared>>, %arg11: memref<!tpu.dma_semaphore, #tpu.memory_space<semaphore_mem>>) attributes {dimension_semantics = [#tpu.dimension_semantics<core_parallel>, #tpu.dimension_semantics<subcore_parallel>], iteration_bounds = array<i64: 2, 16>, scalar_prefetch = 0 : i64, scratch_operands = 6 : i64, tpu.core_type = #tpu.core_type<sc_vector_subcore>, window_params = [{transform_indices = #map}, {transform_indices = #map1}, {transform_indices = #map1}, {transform_indices = #map2}]} {
    %mul3A = arith.constant 2 : i32
    %mul3A_0 = arith.muli %arg1, %mul3A : i32
    %add3A = arith.addi %mul3A_0, %arg0 : i32
    %scan3A = arith.constant 0 : i32
    %scan3A_1 = arith.constant 0 : i32
    %scan3A_2 = arith.constant 1024 : i32
    %scan3A_3 = arith.addi %scan3A_1, %scan3A_2 : i32
    %scan3A_4 = arith.constant 1 : i32
    %scan3A_5 = scf.for %scan3A_31 = %scan3A_1 to %scan3A_3 step %scan3A_4 iter_args(%scan3A_32 = %scan3A) -> (i32)  : i32 {
      %jit3A = arith.constant 8 : i32
      %div3A = arith.divsi %scan3A_31, %jit3A : i32
      %sign3A = arith.constant 0 : i32
      %sign3A_33 = arith.cmpi sgt, %scan3A_31, %sign3A : i32
      %sign3A_34 = arith.extui %sign3A_33 : i1 to i32
      %sign3A_35 = arith.constant 0 : i32
      %sign3A_36 = arith.cmpi slt, %scan3A_31, %sign3A_35 : i32
      %sign3A_37 = arith.extui %sign3A_36 : i1 to i32
      %sign3A_38 = arith.subi %sign3A_34, %sign3A_37 : i32
      %sign3A_39 = arith.constant 0 : i32
      %sign3A_40 = arith.cmpi sgt, %jit3A, %sign3A_39 : i32
      %sign3A_41 = arith.extui %sign3A_40 : i1 to i32
      %sign3A_42 = arith.constant 0 : i32
      %sign3A_43 = arith.cmpi slt, %jit3A, %sign3A_42 : i32
      %sign3A_44 = arith.extui %sign3A_43 : i1 to i32
      %sign3A_45 = arith.subi %sign3A_41, %sign3A_44 : i32
      %ne3A = arith.cmpi ne, %sign3A_38, %sign3A_45 : i32
      %rem3A = arith.remsi %scan3A_31, %jit3A : i32
      %ne3A_46 = arith.constant 0 : i32
      %ne3A_47 = arith.cmpi ne, %rem3A, %ne3A_46 : i32
      %and3A = arith.andi %ne3A, %ne3A_47 : i1
      %sub3A = arith.constant 1 : i32
      %sub3A_48 = arith.subi %div3A, %sub3A : i32
      %select_n3A = arith.select %and3A, %sub3A_48, %div3A : i32
      %jit3A_49 = arith.constant 8 : i32
      %eq3A = arith.constant 0 : i32
      %eq3A_50 = arith.cmpi eq, %jit3A_49, %eq3A : i32
      %jit3A_51 = arith.constant 1 : i32
      %select_n3A_52 = arith.select %eq3A_50, %jit3A_51, %jit3A_49 : i32
      %rem3A_53 = arith.remsi %scan3A_31, %select_n3A_52 : i32
      %ne3A_54 = arith.constant 0 : i32
      %ne3A_55 = arith.cmpi ne, %rem3A_53, %ne3A_54 : i32
      %lt3A = arith.constant 0 : i32
      %lt3A_56 = arith.cmpi slt, %rem3A_53, %lt3A : i32
      %lt3A_57 = arith.constant 0 : i32
      %lt3A_58 = arith.cmpi slt, %select_n3A_52, %lt3A_57 : i32
      %ne3A_59 = arith.xori %lt3A_56, %lt3A_58 : i1
      %and3A_60 = arith.andi %ne3A_59, %ne3A_55 : i1
      %add3A_61 = arith.addi %rem3A_53, %select_n3A_52 : i32
      %select_n3A_62 = arith.select %and3A_60, %add3A_61, %rem3A_53 : i32
      %broadcast_in_dim3A = arith.constant 0.000000e+00 : f32
      %broadcast_in_dim3A_63 = vector.broadcast %broadcast_in_dim3A : f32 to vector<16xf32>
      %mul3A_64 = arith.constant 16 : i32
      %mul3A_65 = arith.muli %select_n3A_62, %mul3A_64 : i32
      %swap3A = arith.index_cast %select_n3A : i32 to index
      %swap3A_66 = arith.index_cast %mul3A_65 : i32 to index
      %swap3A_67 = tpu.vector_load %arg9[%swap3A, %swap3A_66] {strides = array<i32>} : memref<128x128xf32, #tpu.memory_space<vmem>>, vector<1x16xf32>,
      %swap3A_68 = vector.shape_cast %swap3A_67 : vector<1x16xf32> to vector<16xf32>
      %swap3A_69 = vector.shape_cast %broadcast_in_dim3A_63 : vector<16xf32> to vector<1x16xf32>
      tpu.vector_store %arg9[%swap3A, %swap3A_66], %swap3A_69 {strides = array<i32>} : memref<128x128xf32, #tpu.memory_space<vmem>>, vector<1x16xf32>,
      %scan3A_70 = arith.constant 0 : i32
      scf.yield %scan3A_70 : i32
    }
    %scan3A_6 = arith.constant 1024 : i32
    %scan3A_7 = arith.constant 0 : i32
    %scan3A_8 = arith.constant 0 : i32
    %scan3A_9 = arith.constant 5 : i32
    %scan3A_10 = arith.addi %scan3A_8, %scan3A_9 : i32
    %scan3A_11 = arith.constant 1 : i32
    %scan3A_12 = scf.for %scan3A_31 = %scan3A_8 to %scan3A_10 step %scan3A_11 iter_args(%scan3A_32 = %scan3A_7) -> (i32)  : i32 {
      %mul3A_33 = arith.constant 640 : i32
      %mul3A_34 = arith.muli %arg1, %mul3A_33 : i32
      %mul3A_35 = arith.constant 128 : i32
      %mul3A_36 = arith.muli %scan3A_31, %mul3A_35 : i32
      %add3A_37 = arith.addi %mul3A_34, %mul3A_36 : i32
      "tpu.region"() ({
        %run_scoped3A = tpu.sem_alloc : memref<!tpu.dma_semaphore, #tpu.memory_space<semaphore_mem>>
        %dma_start3A = arith.constant 0 : i32
        %dma_start3A_39 = tpu.memref_slice %arg10[%add3A_37, %dma_start3A] : memref<10240x128xf32, #tpu.memory_space<vmem_shared>> -> memref<128x128xf32, #tpu.memory_space<vmem_shared>>
        %dma_start3A_40 = arith.constant 0 : i32
        %dma_start3A_41 = tpu.memref_slice %arg10[%add3A_37, %dma_start3A_40] : memref<10240x128xf32, #tpu.memory_space<vmem_shared>> -> memref<128x128xf32, #tpu.memory_space<vmem_shared>>
        tpu.enqueue_dma source(%arg9 : memref<128x128xf32, #tpu.memory_space<vmem>>) target(%dma_start3A_41 : memref<128x128xf32, #tpu.memory_space<vmem_shared>>) target_semaphore(%run_scoped3A : memref<!tpu.dma_semaphore, #tpu.memory_space<semaphore_mem>>)
        %dma_wait3A = arith.constant 0 : i32
        %dma_wait3A_42 = tpu.memref_slice %arg10[%add3A_37, %dma_wait3A] : memref<10240x128xf32, #tpu.memory_space<vmem_shared>> -> memref<128x128xf32, #tpu.memory_space<vmem_shared>>
        %dma_wait3A_43 = arith.constant 0 : i32
        %dma_wait3A_44 = tpu.memref_slice %arg10[%add3A_37, %dma_wait3A_43] : memref<10240x128xf32, #tpu.memory_space<vmem_shared>> -> memref<128x128xf32, #tpu.memory_space<vmem_shared>>
        tpu.wait_dma2 semaphore(%run_scoped3A : memref<!tpu.dma_semaphore, #tpu.memory_space<semaphore_mem>>) src(%arg9 : memref<128x128xf32, #tpu.memory_space<vmem>>) dst(%dma_wait3A_44 : memref<128x128xf32, #tpu.memory_space<vmem_shared>>)
        tpu.yield
      }) : () -> ()
      %scan3A_38 = arith.constant 0 : i32
      scf.yield %scan3A_38 : i32
    }
    %scan3A_13 = arith.constant 5 : i32
    %barrier3A = arith.constant 0 : index
    tpu.barrier barrier_id(%barrier3A)
    %mul3A_14 = arith.constant 10000 : i32
    %mul3A_15 = arith.muli %add3A, %mul3A_14 : i32
    %scan3A_16 = arith.constant 0 : i32
    %scan3A_17 = arith.constant 0 : i32
    %scan3A_18 = arith.constant 125 : i32
    %scan3A_19 = arith.addi %scan3A_17, %scan3A_18 : i32
    %scan3A_20 = arith.constant 1 : i32
    %scan3A_21 = scf.for %scan3A_31 = %scan3A_17 to %scan3A_19 step %scan3A_20 iter_args(%scan3A_32 = %scan3A_16) -> (i32)  : i32 {
      %mul3A_33 = arith.constant 80 : i32
      %mul3A_34 = arith.muli %scan3A_31, %mul3A_33 : i32
      %add3A_35 = arith.addi %mul3A_15, %mul3A_34 : i32
      "tpu.region"() ({
        %run_scoped3A = tpu.sem_alloc : memref<!tpu.dma_semaphore, #tpu.memory_space<semaphore_mem>>
        %dma_start3A_44 = tpu.memref_slice %arg3[%add3A_35] : memref<320000xi32, #tpu.memory_space<hbm>> -> memref<80xi32, #tpu.memory_space<hbm>>
        %dma_start3A_45 = tpu.memref_slice %arg3[%add3A_35] : memref<320000xi32, #tpu.memory_space<hbm>> -> memref<80xi32, #tpu.memory_space<hbm>>
        tpu.enqueue_dma source(%dma_start3A_45 : memref<80xi32, #tpu.memory_space<hbm>>) target(%arg6 : memref<80xi32, #tpu.memory_space<vmem>>) target_semaphore(%run_scoped3A : memref<!tpu.dma_semaphore, #tpu.memory_space<semaphore_mem>>)
        %dma_wait3A_46 = tpu.memref_slice %arg3[%add3A_35] : memref<320000xi32, #tpu.memory_space<hbm>> -> memref<80xi32, #tpu.memory_space<hbm>>
        %dma_wait3A_47 = tpu.memref_slice %arg3[%add3A_35] : memref<320000xi32, #tpu.memory_space<hbm>> -> memref<80xi32, #tpu.memory_space<hbm>>
        tpu.wait_dma2 semaphore(%run_scoped3A : memref<!tpu.dma_semaphore, #tpu.memory_space<semaphore_mem>>) src(%dma_wait3A_47 : memref<80xi32, #tpu.memory_space<hbm>>) dst(%arg6 : memref<80xi32, #tpu.memory_space<vmem>>)
        tpu.yield
      }) : () -> ()
      %mul3A_36 = arith.constant 80 : i32
      %mul3A_37 = arith.muli %scan3A_31, %mul3A_36 : i32
      %add3A_38 = arith.addi %mul3A_15, %mul3A_37 : i32
      "tpu.region"() ({
        %run_scoped3A = tpu.sem_alloc : memref<!tpu.dma_semaphore, #tpu.memory_space<semaphore_mem>>
        %dma_start3A_44 = tpu.memref_slice %arg4[%add3A_38] : memref<320000xi32, #tpu.memory_space<hbm>> -> memref<80xi32, #tpu.memory_space<hbm>>
        %dma_start3A_45 = tpu.memref_slice %arg4[%add3A_38] : memref<320000xi32, #tpu.memory_space<hbm>> -> memref<80xi32, #tpu.memory_space<hbm>>
        tpu.enqueue_dma source(%dma_start3A_45 : memref<80xi32, #tpu.memory_space<hbm>>) target(%arg7 : memref<80xi32, #tpu.memory_space<vmem>>) target_semaphore(%run_scoped3A : memref<!tpu.dma_semaphore, #tpu.memory_space<semaphore_mem>>)
        %dma_wait3A_46 = tpu.memref_slice %arg4[%add3A_38] : memref<320000xi32, #tpu.memory_space<hbm>> -> memref<80xi32, #tpu.memory_space<hbm>>
        %dma_wait3A_47 = tpu.memref_slice %arg4[%add3A_38] : memref<320000xi32, #tpu.memory_space<hbm>> -> memref<80xi32, #tpu.memory_space<hbm>>
        tpu.wait_dma2 semaphore(%run_scoped3A : memref<!tpu.dma_semaphore, #tpu.memory_space<semaphore_mem>>) src(%dma_wait3A_47 : memref<80xi32, #tpu.memory_space<hbm>>) dst(%arg7 : memref<80xi32, #tpu.memory_space<vmem>>)
        tpu.yield
      }) : () -> ()
      %dma_start3A = arith.constant 0 : i32
      %dma_start3A_39 = arith.constant 0 : i32
      %dma_start3A_40 = tpu.memref_slice %arg2[%dma_start3A, %dma_start3A_39] : memref<10000x128xf32, #tpu.memory_space<hbm>> -> memref<10000x128xf32, #tpu.memory_space<hbm>>
      tpu.enqueue_indirect_dma source(%dma_start3A_40 : memref<10000x128xf32, #tpu.memory_space<hbm>>) target(%arg8 : memref<80x128xf32, #tpu.memory_space<vmem>>) offsets(%arg6 : memref<80xi32, #tpu.memory_space<vmem>>) semaphore(%arg11 : memref<!tpu.dma_semaphore, #tpu.memory_space<semaphore_mem>>)
      %dma_wait3A = arith.constant 0 : i32
      %dma_wait3A_41 = arith.constant 0 : i32
      %dma_wait3A_42 = tpu.memref_slice %arg2[%dma_wait3A, %dma_wait3A_41] : memref<10000x128xf32, #tpu.memory_space<hbm>> -> memref<10000x128xf32, #tpu.memory_space<hbm>>
      tpu.wait_indirect_dma semaphore(%arg11 : memref<!tpu.dma_semaphore, #tpu.memory_space<semaphore_mem>>) src(%dma_wait3A_42 : memref<10000x128xf32, #tpu.memory_space<hbm>>) dst(%arg8 : memref<80x128xf32, #tpu.memory_space<vmem>>)
      "tpu.region"() ({
        %run_scoped3A = tpu.sem_alloc : memref<!tpu.dma_semaphore, #tpu.memory_space<semaphore_mem>>
        %dma_start3A_44 = arith.constant 0 : i32
        %dma_start3A_45 = arith.constant 0 : i32
        %dma_start3A_46 = tpu.memref_slice %arg10[%dma_start3A_44, %dma_start3A_45] : memref<10240x128xf32, #tpu.memory_space<vmem_shared>> -> memref<10240x128xf32, #tpu.memory_space<vmem_shared>>
        tpu.enqueue_indirect_dma source(%arg8 : memref<80x128xf32, #tpu.memory_space<vmem>>) target(%dma_start3A_46 : memref<10240x128xf32, #tpu.memory_space<vmem_shared>>) offsets(%arg7 : memref<80xi32, #tpu.memory_space<vmem>>) semaphore(%run_scoped3A : memref<!tpu.dma_semaphore, #tpu.memory_space<semaphore_mem>>) {add = true}
        %dma_wait3A_47 = arith.constant 0 : i32
        %dma_wait3A_48 = arith.constant 0 : i32
        %dma_wait3A_49 = tpu.memref_slice %arg10[%dma_wait3A_47, %dma_wait3A_48] : memref<10240x128xf32, #tpu.memory_space<vmem_shared>> -> memref<10240x128xf32, #tpu.memory_space<vmem_shared>>
        tpu.wait_indirect_dma semaphore(%run_scoped3A : memref<!tpu.dma_semaphore, #tpu.memory_space<semaphore_mem>>) src(%arg8 : memref<80x128xf32, #tpu.memory_space<vmem>>) dst(%dma_wait3A_49 : memref<10240x128xf32, #tpu.memory_space<vmem_shared>>)
        tpu.yield
      }) : () -> ()
      %scan3A_43 = arith.constant 0 : i32
      scf.yield %scan3A_43 : i32
    }
    %scan3A_22 = arith.constant 125 : i32
    %barrier3A_23 = arith.constant 0 : index
    tpu.barrier barrier_id(%barrier3A_23)
    %scan3A_24 = arith.constant 0 : i32
    %scan3A_25 = arith.constant 0 : i32
    %scan3A_26 = arith.constant 5 : i32
    %scan3A_27 = arith.addi %scan3A_25, %scan3A_26 : i32
    %scan3A_28 = arith.constant 1 : i32
    %scan3A_29 = scf.for %scan3A_31 = %scan3A_25 to %scan3A_27 step %scan3A_28 iter_args(%scan3A_32 = %scan3A_24) -> (i32)  : i32 {
      %mul3A_33 = arith.constant 640 : i32
      %mul3A_34 = arith.muli %arg1, %mul3A_33 : i32
      %mul3A_35 = arith.constant 128 : i32
      %mul3A_36 = arith.muli %scan3A_31, %mul3A_35 : i32
      %add3A_37 = arith.addi %mul3A_34, %mul3A_36 : i32
      "tpu.region"() ({
        %run_scoped3A = tpu.sem_alloc : memref<!tpu.dma_semaphore, #tpu.memory_space<semaphore_mem>>
        %dma_start3A = arith.constant 0 : i32
        %dma_start3A_39 = tpu.memref_slice %arg10[%add3A_37, %dma_start3A] : memref<10240x128xf32, #tpu.memory_space<vmem_shared>> -> memref<128x128xf32, #tpu.memory_space<vmem_shared>>
        %dma_start3A_40 = arith.constant 0 : i32
        %dma_start3A_41 = tpu.memref_slice %arg10[%add3A_37, %dma_start3A_40] : memref<10240x128xf32, #tpu.memory_space<vmem_shared>> -> memref<128x128xf32, #tpu.memory_space<vmem_shared>>
        tpu.enqueue_dma source(%dma_start3A_41 : memref<128x128xf32, #tpu.memory_space<vmem_shared>>) target(%arg9 : memref<128x128xf32, #tpu.memory_space<vmem>>) target_semaphore(%run_scoped3A : memref<!tpu.dma_semaphore, #tpu.memory_space<semaphore_mem>>)
        %dma_wait3A = arith.constant 0 : i32
        %dma_wait3A_42 = tpu.memref_slice %arg10[%add3A_37, %dma_wait3A] : memref<10240x128xf32, #tpu.memory_space<vmem_shared>> -> memref<128x128xf32, #tpu.memory_space<vmem_shared>>
        %dma_wait3A_43 = arith.constant 0 : i32
        %dma_wait3A_44 = tpu.memref_slice %arg10[%add3A_37, %dma_wait3A_43] : memref<10240x128xf32, #tpu.memory_space<vmem_shared>> -> memref<128x128xf32, #tpu.memory_space<vmem_shared>>
        tpu.wait_dma2 semaphore(%run_scoped3A : memref<!tpu.dma_semaphore, #tpu.memory_space<semaphore_mem>>) src(%dma_wait3A_44 : memref<128x128xf32, #tpu.memory_space<vmem_shared>>) dst(%arg9 : memref<128x128xf32, #tpu.memory_space<vmem>>)
        tpu.yield
      }) : () -> ()
      "tpu.region"() ({
        %run_scoped3A = tpu.sem_alloc : memref<!tpu.dma_semaphore, #tpu.memory_space<semaphore_mem>>
        %dma_start3A = arith.constant 0 : i32
        %dma_start3A_39 = tpu.memref_slice %arg5[%arg0, %add3A_37, %dma_start3A] : memref<2x10240x128xf32, #tpu.memory_space<hbm>> -> memref<1x128x128xf32, #tpu.memory_space<hbm>>
        %dma_start3A_40 = tpu.memref_squeeze %dma_start3A_39 : memref<1x128x128xf32, #tpu.memory_space<hbm>> -> memref<128x128xf32, #tpu.memory_space<hbm>>
        %dma_start3A_41 = arith.constant 0 : i32
        %dma_start3A_42 = tpu.memref_slice %arg5[%arg0, %add3A_37, %dma_start3A_41] : memref<2x10240x128xf32, #tpu.memory_space<hbm>> -> memref<1x128x128xf32, #tpu.memory_space<hbm>>
        %dma_start3A_43 = tpu.memref_squeeze %dma_start3A_42 : memref<1x128x128xf32, #tpu.memory_space<hbm>> -> memref<128x128xf32, #tpu.memory_space<hbm>>
        tpu.enqueue_dma source(%arg9 : memref<128x128xf32, #tpu.memory_space<vmem>>) target(%dma_start3A_43 : memref<128x128xf32, #tpu.memory_space<hbm>>) target_semaphore(%run_scoped3A : memref<!tpu.dma_semaphore, #tpu.memory_space<semaphore_mem>>)
        %dma_wait3A = arith.constant 0 : i32
        %dma_wait3A_44 = tpu.memref_slice %arg5[%arg0, %add3A_37, %dma_wait3A] : memref<2x10240x128xf32, #tpu.memory_space<hbm>> -> memref<1x128x128xf32, #tpu.memory_space<hbm>>
        %dma_wait3A_45 = tpu.memref_squeeze %dma_wait3A_44 : memref<1x128x128xf32, #tpu.memory_space<hbm>> -> memref<128x128xf32, #tpu.memory_space<hbm>>
        %dma_wait3A_46 = arith.constant 0 : i32
        %dma_wait3A_47 = tpu.memref_slice %arg5[%arg0, %add3A_37, %dma_wait3A_46] : memref<2x10240x128xf32, #tpu.memory_space<hbm>> -> memref<1x128x128xf32, #tpu.memory_space<hbm>>
        %dma_wait3A_48 = tpu.memref_squeeze %dma_wait3A_47 : memref<1x128x128xf32, #tpu.memory_space<hbm>> -> memref<128x128xf32, #tpu.memory_space<hbm>>
        tpu.wait_dma2 semaphore(%run_scoped3A : memref<!tpu.dma_semaphore, #tpu.memory_space<semaphore_mem>>) src(%arg9 : memref<128x128xf32, #tpu.memory_space<vmem>>) dst(%dma_wait3A_48 : memref<128x128xf32, #tpu.memory_space<hbm>>)
        tpu.yield
      }) : () -> ()
      %scan3A_38 = arith.constant 0 : i32
      scf.yield %scan3A_38 : i32
    }
    %scan3A_30 = arith.constant 5 : i32
    return
  }
}

module attributes {stable_mosaic.version = 14 : i64} {
  func.func @_prep_body(%arg0: i32, %arg1: memref<2000x1xf32, #tpu.memory_space<vmem>>, %arg2: memref<2000x1xf32, #tpu.memory_space<vmem>>, %arg3: memref<2000x128xf32, #tpu.memory_space<vmem>>, %arg4: memref<2000x128xf32, #tpu.memory_space<vmem>>, %arg5: memref<2000x1xf32, #tpu.memory_space<vmem>>, %arg6: memref<2000x1xf32, #tpu.memory_space<vmem>>) attributes {dimension_semantics = [#tpu.dimension_semantics<arbitrary>], iteration_bounds = array<i64: 5>, scalar_prefetch = 0 : i64, scratch_operands = 0 : i64, tpu.core_type = #tpu.core_type<tc>, window_params = [{transform_indices = @transform_0, window_bounds = array<i64: 2000, 1>}, {transform_indices = @transform_1, window_bounds = array<i64: 2000, 1>}, {transform_indices = @transform_2, window_bounds = array<i64: 2000, 128>}, {transform_indices = @transform_3, window_bounds = array<i64: 2000, 128>}, {transform_indices = @transform_4, window_bounds = array<i64: 2000, 1>}, {transform_indices = @transform_5, window_bounds = array<i64: 2000, 1>}]} {
    %get3A = arith.constant 0 : index
    %get3A_0 = arith.constant 0 : index
    %get3A_1 = vector.load %arg1[%get3A, %get3A_0] : memref<2000x1xf32, #tpu.memory_space<vmem>>, vector<2000x1xf32>
    %max3A = arith.constant 1.000000e+00 : f32
    %max3A_2 = vector.broadcast %max3A : f32 to vector<2000x1xf32>
    %max3A_3 = arith.maximumf %get3A_1, %max3A_2 : vector<2000x1xf32>
    %rsqrt3A = math.rsqrt %max3A_3 : vector<2000x1xf32>
    %get3A_4 = arith.constant 0 : index
    %get3A_5 = arith.constant 0 : index
    %get3A_6 = vector.load %arg2[%get3A_4, %get3A_5] : memref<2000x1xf32, #tpu.memory_space<vmem>>, vector<2000x1xf32>
    %max3A_7 = arith.constant 1.000000e+00 : f32
    %max3A_8 = vector.broadcast %max3A_7 : f32 to vector<2000x1xf32>
    %max3A_9 = arith.maximumf %get3A_6, %max3A_8 : vector<2000x1xf32>
    %rsqrt3A_10 = math.rsqrt %max3A_9 : vector<2000x1xf32>
    %swap3A = arith.constant 0 : index
    %swap3A_11 = arith.constant 0 : index
    %swap3A_12 = vector.load %arg5[%swap3A, %swap3A_11] : memref<2000x1xf32, #tpu.memory_space<vmem>>, vector<2000x1xf32>
    tpu.vector_store %arg5[%swap3A, %swap3A_11], %rsqrt3A {strides = array<i32>} : memref<2000x1xf32, #tpu.memory_space<vmem>>, vector<2000x1xf32>,
    %swap3A_13 = arith.constant 0 : index
    %swap3A_14 = arith.constant 0 : index
    %swap3A_15 = vector.load %arg6[%swap3A_13, %swap3A_14] : memref<2000x1xf32, #tpu.memory_space<vmem>>, vector<2000x1xf32>
    tpu.vector_store %arg6[%swap3A_13, %swap3A_14], %rsqrt3A_10 {strides = array<i32>} : memref<2000x1xf32, #tpu.memory_space<vmem>>, vector<2000x1xf32>,
    %get3A_16 = arith.constant 0 : index
    %get3A_17 = arith.constant 0 : index
    %get3A_18 = vector.load %arg3[%get3A_16, %get3A_17] : memref<2000x128xf32, #tpu.memory_space<vmem>>, vector<2000x128xf32>
    %mul3A = vector.broadcast %rsqrt3A : vector<2000x1xf32> to vector<2000x128xf32>
    %mul3A_19 = arith.mulf %get3A_18, %mul3A : vector<2000x128xf32>
    %swap3A_20 = arith.constant 0 : index
    %swap3A_21 = arith.constant 0 : index
    %swap3A_22 = vector.load %arg4[%swap3A_20, %swap3A_21] : memref<2000x128xf32, #tpu.memory_space<vmem>>, vector<2000x128xf32>
    tpu.vector_store %arg4[%swap3A_20, %swap3A_21], %mul3A_19 {strides = array<i32>} : memref<2000x128xf32, #tpu.memory_space<vmem>>, vector<2000x128xf32>,
    return
  }
  func.func @transform_0(%arg0: i32) -> (i32, i32) {
    %c0_i32 = arith.constant 0 : i32
    %c0_i32_0 = arith.constant 0 : i32
    return %arg0, %c0_i32 : i32, i32
  }
  func.func @transform_1(%arg0: i32) -> (i32, i32) {
    %c0_i32 = arith.constant 0 : i32
    %c0_i32_0 = arith.constant 0 : i32
    return %arg0, %c0_i32 : i32, i32
  }
  func.func @transform_2(%arg0: i32) -> (i32, i32) {
    %c0_i32 = arith.constant 0 : i32
    %c0_i32_0 = arith.constant 0 : i32
    return %arg0, %c0_i32 : i32, i32
  }
  func.func @transform_3(%arg0: i32) -> (i32, i32) {
    %c0_i32 = arith.constant 0 : i32
    %c0_i32_0 = arith.constant 0 : i32
    return %arg0, %c0_i32 : i32, i32
  }
  func.func @transform_4(%arg0: i32) -> (i32, i32) {
    %c0_i32 = arith.constant 0 : i32
    %c0_i32_0 = arith.constant 0 : i32
    return %arg0, %c0_i32 : i32, i32
  }
  func.func @transform_5(%arg0: i32) -> (i32, i32) {
    %c0_i32 = arith.constant 0 : i32
    %c0_i32_0 = arith.constant 0 : i32
    return %arg0, %c0_i32 : i32, i32
  }
}

module attributes {stable_mosaic.version = 14 : i64} {
  func.func @_layer_body(%arg0: i32, %arg1: memref<2x2000x128xf32, #tpu.memory_space<vmem>>, %arg2: memref<2000x1xf32, #tpu.memory_space<vmem>>, %arg3: memref<2000x1xf32, #tpu.memory_space<vmem>>, %arg4: memref<128x128xf32, #tpu.memory_space<vmem>>, %arg5: memref<1x128xf32, #tpu.memory_space<vmem>>, %arg6: memref<2000x128xf32, #tpu.memory_space<vmem>>) attributes {dimension_semantics = [#tpu.dimension_semantics<arbitrary>], iteration_bounds = array<i64: 5>, scalar_prefetch = 0 : i64, scratch_operands = 0 : i64, tpu.core_type = #tpu.core_type<tc>, window_params = [{transform_indices = @transform_0, window_bounds = array<i64: 2, 2000, 128>}, {transform_indices = @transform_1, window_bounds = array<i64: 2000, 1>}, {transform_indices = @transform_2, window_bounds = array<i64: 2000, 1>}, {pipeline_mode = #tpu.pipeline_mode<synchronous>, transform_indices = @transform_3, window_bounds = array<i64: 128, 128>}, {pipeline_mode = #tpu.pipeline_mode<synchronous>, transform_indices = @transform_4, window_bounds = array<i64: 1, 128>}, {transform_indices = @transform_5, window_bounds = array<i64: 2000, 128>}]} {
    %get3A = arith.constant 0 : index
    %get3A_0 = arith.constant 0 : index
    %get3A_1 = arith.constant 0 : index
    %get3A_2 = vector.load %arg1[%get3A, %get3A_0, %get3A_1] : memref<2x2000x128xf32, #tpu.memory_space<vmem>>, vector<1x2000x128xf32>
    %get3A_3 = vector.shape_cast %get3A_2 : vector<1x2000x128xf32> to vector<2000x128xf32>
    %get3A_4 = arith.constant 1 : index
    %get3A_5 = arith.constant 0 : index
    %get3A_6 = arith.constant 0 : index
    %get3A_7 = vector.load %arg1[%get3A_4, %get3A_5, %get3A_6] : memref<2x2000x128xf32, #tpu.memory_space<vmem>>, vector<1x2000x128xf32>
    %get3A_8 = vector.shape_cast %get3A_7 : vector<1x2000x128xf32> to vector<2000x128xf32>
    %add3A = arith.addf %get3A_3, %get3A_8 : vector<2000x128xf32>
    %get3A_9 = arith.constant 0 : index
    %get3A_10 = arith.constant 0 : index
    %get3A_11 = vector.load %arg2[%get3A_9, %get3A_10] : memref<2000x1xf32, #tpu.memory_space<vmem>>, vector<2000x1xf32>
    %mul3A = vector.broadcast %get3A_11 : vector<2000x1xf32> to vector<2000x128xf32>
    %mul3A_12 = arith.mulf %add3A, %mul3A : vector<2000x128xf32>
    %get3A_13 = arith.constant 0 : index
    %get3A_14 = arith.constant 0 : index
    %get3A_15 = vector.load %arg4[%get3A_13, %get3A_14] : memref<128x128xf32, #tpu.memory_space<vmem>>, vector<128x128xf32>
    %dot_general3A = arith.constant dense<0.000000e+00> : vector<2000x128xf32>
    %dot_general3A_16 = tpu.matmul %mul3A_12, %get3A_15, %dot_general3A {dimension_numbers = #tpu.dot_dimension_numbers<[1], [0], [0], [1], [0, 0, 1, 1], [], []>, transpose_lhs_hint = false} : vector<2000x128xf32>, vector<128x128xf32>, vector<2000x128xf32> -> vector<2000x128xf32>
    %get3A_17 = arith.constant 0 : index
    %get3A_18 = arith.constant 0 : index
    %get3A_19 = vector.load %arg5[%get3A_17, %get3A_18] : memref<1x128xf32, #tpu.memory_space<vmem>>, vector<1x128xf32>
    %add3A_20 = vector.broadcast %get3A_19 : vector<1x128xf32> to vector<2000x128xf32>
    %add3A_21 = arith.addf %dot_general3A_16, %add3A_20 : vector<2000x128xf32>
    %max3A = arith.constant 0.000000e+00 : f32
    %max3A_22 = vector.broadcast %max3A : f32 to vector<2000x128xf32>
    %max3A_23 = arith.maximumf %add3A_21, %max3A_22 : vector<2000x128xf32>
    %get3A_24 = arith.constant 0 : index
    %get3A_25 = arith.constant 0 : index
    %get3A_26 = vector.load %arg3[%get3A_24, %get3A_25] : memref<2000x1xf32, #tpu.memory_space<vmem>>, vector<2000x1xf32>
    %mul3A_27 = vector.broadcast %get3A_26 : vector<2000x1xf32> to vector<2000x128xf32>
    %mul3A_28 = arith.mulf %max3A_23, %mul3A_27 : vector<2000x128xf32>
    %swap3A = arith.constant 0 : index
    %swap3A_29 = arith.constant 0 : index
    %swap3A_30 = vector.load %arg6[%swap3A, %swap3A_29] : memref<2000x128xf32, #tpu.memory_space<vmem>>, vector<2000x128xf32>
    tpu.vector_store %arg6[%swap3A, %swap3A_29], %mul3A_28 {strides = array<i32>} : memref<2000x128xf32, #tpu.memory_space<vmem>>, vector<2000x128xf32>,
    return
  }
  func.func @transform_0(%arg0: i32) -> (i32, i32, i32) {
    %c0_i32 = arith.constant 0 : i32
    %c0_i32_0 = arith.constant 0 : i32
    %c0_i32_1 = arith.constant 0 : i32
    return %c0_i32, %arg0, %c0_i32_0 : i32, i32, i32
  }
  func.func @transform_1(%arg0: i32) -> (i32, i32) {
    %c0_i32 = arith.constant 0 : i32
    %c0_i32_0 = arith.constant 0 : i32
    return %arg0, %c0_i32 : i32, i32
  }
  func.func @transform_2(%arg0: i32) -> (i32, i32) {
    %c0_i32 = arith.constant 0 : i32
    %c0_i32_0 = arith.constant 0 : i32
    return %arg0, %c0_i32 : i32, i32
  }
  func.func @transform_3(%arg0: i32) -> (i32, i32) {
    %c0_i32 = arith.constant 0 : i32
    %c0_i32_0 = arith.constant 0 : i32
    %c0_i32_1 = arith.constant 0 : i32
    return %c0_i32, %c0_i32_0 : i32, i32
  }
  func.func @transform_4(%arg0: i32) -> (i32, i32) {
    %c0_i32 = arith.constant 0 : i32
    %c0_i32_0 = arith.constant 0 : i32
    %c0_i32_1 = arith.constant 0 : i32
    return %c0_i32, %c0_i32_0 : i32, i32
  }
  func.func @transform_5(%arg0: i32) -> (i32, i32) {
    %c0_i32 = arith.constant 0 : i32
    %c0_i32_0 = arith.constant 0 : i32
    return %arg0, %c0_i32 : i32, i32
  }
}

module attributes {stable_mosaic.version = 14 : i64} {
  func.func @_layer_body(%arg0: i32, %arg1: memref<2x2000x128xf32, #tpu.memory_space<vmem>>, %arg2: memref<2000x1xf32, #tpu.memory_space<vmem>>, %arg3: memref<2000x1xf32, #tpu.memory_space<vmem>>, %arg4: memref<128x128xf32, #tpu.memory_space<vmem>>, %arg5: memref<1x128xf32, #tpu.memory_space<vmem>>, %arg6: memref<2000x128xf32, #tpu.memory_space<vmem>>) attributes {dimension_semantics = [#tpu.dimension_semantics<arbitrary>], iteration_bounds = array<i64: 5>, scalar_prefetch = 0 : i64, scratch_operands = 0 : i64, tpu.core_type = #tpu.core_type<tc>, window_params = [{transform_indices = @transform_0, window_bounds = array<i64: 2, 2000, 128>}, {transform_indices = @transform_1, window_bounds = array<i64: 2000, 1>}, {transform_indices = @transform_2, window_bounds = array<i64: 2000, 1>}, {pipeline_mode = #tpu.pipeline_mode<synchronous>, transform_indices = @transform_3, window_bounds = array<i64: 128, 128>}, {pipeline_mode = #tpu.pipeline_mode<synchronous>, transform_indices = @transform_4, window_bounds = array<i64: 1, 128>}, {transform_indices = @transform_5, window_bounds = array<i64: 2000, 128>}]} {
    %get3A = arith.constant 0 : index
    %get3A_0 = arith.constant 0 : index
    %get3A_1 = arith.constant 0 : index
    %get3A_2 = vector.load %arg1[%get3A, %get3A_0, %get3A_1] : memref<2x2000x128xf32, #tpu.memory_space<vmem>>, vector<1x2000x128xf32>
    %get3A_3 = vector.shape_cast %get3A_2 : vector<1x2000x128xf32> to vector<2000x128xf32>
    %get3A_4 = arith.constant 1 : index
    %get3A_5 = arith.constant 0 : index
    %get3A_6 = arith.constant 0 : index
    %get3A_7 = vector.load %arg1[%get3A_4, %get3A_5, %get3A_6] : memref<2x2000x128xf32, #tpu.memory_space<vmem>>, vector<1x2000x128xf32>
    %get3A_8 = vector.shape_cast %get3A_7 : vector<1x2000x128xf32> to vector<2000x128xf32>
    %add3A = arith.addf %get3A_3, %get3A_8 : vector<2000x128xf32>
    %get3A_9 = arith.constant 0 : index
    %get3A_10 = arith.constant 0 : index
    %get3A_11 = vector.load %arg2[%get3A_9, %get3A_10] : memref<2000x1xf32, #tpu.memory_space<vmem>>, vector<2000x1xf32>
    %mul3A = vector.broadcast %get3A_11 : vector<2000x1xf32> to vector<2000x128xf32>
    %mul3A_12 = arith.mulf %add3A, %mul3A : vector<2000x128xf32>
    %get3A_13 = arith.constant 0 : index
    %get3A_14 = arith.constant 0 : index
    %get3A_15 = vector.load %arg4[%get3A_13, %get3A_14] : memref<128x128xf32, #tpu.memory_space<vmem>>, vector<128x128xf32>
    %dot_general3A = arith.constant dense<0.000000e+00> : vector<2000x128xf32>
    %dot_general3A_16 = tpu.matmul %mul3A_12, %get3A_15, %dot_general3A {dimension_numbers = #tpu.dot_dimension_numbers<[1], [0], [0], [1], [0, 0, 1, 1], [], []>, transpose_lhs_hint = false} : vector<2000x128xf32>, vector<128x128xf32>, vector<2000x128xf32> -> vector<2000x128xf32>
    %get3A_17 = arith.constant 0 : index
    %get3A_18 = arith.constant 0 : index
    %get3A_19 = vector.load %arg5[%get3A_17, %get3A_18] : memref<1x128xf32, #tpu.memory_space<vmem>>, vector<1x128xf32>
    %add3A_20 = vector.broadcast %get3A_19 : vector<1x128xf32> to vector<2000x128xf32>
    %add3A_21 = arith.addf %dot_general3A_16, %add3A_20 : vector<2000x128xf32>
    %swap3A = arith.constant 0 : index
    %swap3A_22 = arith.constant 0 : index
    %swap3A_23 = vector.load %arg6[%swap3A, %swap3A_22] : memref<2000x128xf32, #tpu.memory_space<vmem>>, vector<2000x128xf32>
    tpu.vector_store %arg6[%swap3A, %swap3A_22], %add3A_21 {strides = array<i32>} : memref<2000x128xf32, #tpu.memory_space<vmem>>, vector<2000x128xf32>,
    return
  }
  func.func @transform_0(%arg0: i32) -> (i32, i32, i32) {
    %c0_i32 = arith.constant 0 : i32
    %c0_i32_0 = arith.constant 0 : i32
    %c0_i32_1 = arith.constant 0 : i32
    return %c0_i32, %arg0, %c0_i32_0 : i32, i32, i32
  }
  func.func @transform_1(%arg0: i32) -> (i32, i32) {
    %c0_i32 = arith.constant 0 : i32
    %c0_i32_0 = arith.constant 0 : i32
    return %arg0, %c0_i32 : i32, i32
  }
  func.func @transform_2(%arg0: i32) -> (i32, i32) {
    %c0_i32 = arith.constant 0 : i32
    %c0_i32_0 = arith.constant 0 : i32
    return %arg0, %c0_i32 : i32, i32
  }
  func.func @transform_3(%arg0: i32) -> (i32, i32) {
    %c0_i32 = arith.constant 0 : i32
    %c0_i32_0 = arith.constant 0 : i32
    %c0_i32_1 = arith.constant 0 : i32
    return %c0_i32, %c0_i32_0 : i32, i32
  }
  func.func @transform_4(%arg0: i32) -> (i32, i32) {
    %c0_i32 = arith.constant 0 : i32
    %c0_i32_0 = arith.constant 0 : i32
    %c0_i32_1 = arith.constant 0 : i32
    return %c0_i32, %c0_i32_0 : i32, i32
  }
  func.func @transform_5(%arg0: i32) -> (i32, i32) {
    %c0_i32 = arith.constant 0 : i32
    %c0_i32_0 = arith.constant 0 : i32
    return %arg0, %c0_i32 : i32, i32
  }
}

module attributes {stable_mosaic.version = 14 : i64} {
  func.func @_head_body(%arg0: i32, %arg1: memref<2000x128xf32, #tpu.memory_space<vmem>>, %arg2: memref<128x128xf32, #tpu.memory_space<vmem>>, %arg3: memref<128x128xf32, #tpu.memory_space<vmem>>, %arg4: memref<1x128xf32, #tpu.memory_space<vmem>>, %arg5: memref<2000x128xf32, #tpu.memory_space<vmem>>, %arg6: memref<2000x128xf32, #tpu.memory_space<vmem>>) attributes {dimension_semantics = [#tpu.dimension_semantics<arbitrary>], iteration_bounds = array<i64: 5>, scalar_prefetch = 0 : i64, scratch_operands = 0 : i64, tpu.core_type = #tpu.core_type<tc>, window_params = [{transform_indices = @transform_0, window_bounds = array<i64: 2000, 128>}, {pipeline_mode = #tpu.pipeline_mode<synchronous>, transform_indices = @transform_1, window_bounds = array<i64: 128, 128>}, {pipeline_mode = #tpu.pipeline_mode<synchronous>, transform_indices = @transform_2, window_bounds = array<i64: 128, 128>}, {pipeline_mode = #tpu.pipeline_mode<synchronous>, transform_indices = @transform_3, window_bounds = array<i64: 1, 128>}, {transform_indices = @transform_4, window_bounds = array<i64: 2000, 128>}, {transform_indices = @transform_5, window_bounds = array<i64: 2000, 128>}]} {
    %get3A = arith.constant 0 : index
    %get3A_0 = arith.constant 0 : index
    %get3A_1 = vector.load %arg1[%get3A, %get3A_0] : memref<2000x128xf32, #tpu.memory_space<vmem>>, vector<2000x128xf32>
    %get3A_2 = arith.constant 0 : index
    %get3A_3 = arith.constant 0 : index
    %get3A_4 = vector.load %arg2[%get3A_2, %get3A_3] : memref<128x128xf32, #tpu.memory_space<vmem>>, vector<128x128xf32>
    %dot_general3A = arith.constant dense<0.000000e+00> : vector<2000x128xf32>
    %dot_general3A_5 = tpu.matmul %get3A_1, %get3A_4, %dot_general3A {dimension_numbers = #tpu.dot_dimension_numbers<[1], [0], [0], [1], [0, 0, 1, 1], [], []>, transpose_lhs_hint = false} : vector<2000x128xf32>, vector<128x128xf32>, vector<2000x128xf32> -> vector<2000x128xf32>
    %swap3A = arith.constant 0 : index
    %swap3A_6 = arith.constant 0 : index
    %swap3A_7 = vector.load %arg5[%swap3A, %swap3A_6] : memref<2000x128xf32, #tpu.memory_space<vmem>>, vector<2000x128xf32>
    tpu.vector_store %arg5[%swap3A, %swap3A_6], %dot_general3A_5 {strides = array<i32>} : memref<2000x128xf32, #tpu.memory_space<vmem>>, vector<2000x128xf32>,
    %get3A_8 = arith.constant 0 : index
    %get3A_9 = arith.constant 0 : index
    %get3A_10 = vector.load %arg3[%get3A_8, %get3A_9] : memref<128x128xf32, #tpu.memory_space<vmem>>, vector<128x128xf32>
    %dot_general3A_11 = arith.constant dense<0.000000e+00> : vector<2000x128xf32>
    %dot_general3A_12 = tpu.matmul %get3A_1, %get3A_10, %dot_general3A_11 {dimension_numbers = #tpu.dot_dimension_numbers<[1], [0], [0], [1], [0, 0, 1, 1], [], []>, transpose_lhs_hint = false} : vector<2000x128xf32>, vector<128x128xf32>, vector<2000x128xf32> -> vector<2000x128xf32>
    %get3A_13 = arith.constant 0 : index
    %get3A_14 = arith.constant 0 : index
    %get3A_15 = vector.load %arg4[%get3A_13, %get3A_14] : memref<1x128xf32, #tpu.memory_space<vmem>>, vector<1x128xf32>
    %add3A = vector.broadcast %get3A_15 : vector<1x128xf32> to vector<2000x128xf32>
    %add3A_16 = arith.addf %dot_general3A_12, %add3A : vector<2000x128xf32>
    %swap3A_17 = arith.constant 0 : index
    %swap3A_18 = arith.constant 0 : index
    %swap3A_19 = vector.load %arg6[%swap3A_17, %swap3A_18] : memref<2000x128xf32, #tpu.memory_space<vmem>>, vector<2000x128xf32>
    tpu.vector_store %arg6[%swap3A_17, %swap3A_18], %add3A_16 {strides = array<i32>} : memref<2000x128xf32, #tpu.memory_space<vmem>>, vector<2000x128xf32>,
    return
  }
  func.func @transform_0(%arg0: i32) -> (i32, i32) {
    %c0_i32 = arith.constant 0 : i32
    %c0_i32_0 = arith.constant 0 : i32
    return %arg0, %c0_i32 : i32, i32
  }
  func.func @transform_1(%arg0: i32) -> (i32, i32) {
    %c0_i32 = arith.constant 0 : i32
    %c0_i32_0 = arith.constant 0 : i32
    %c0_i32_1 = arith.constant 0 : i32
    return %c0_i32, %c0_i32_0 : i32, i32
  }
  func.func @transform_2(%arg0: i32) -> (i32, i32) {
    %c0_i32 = arith.constant 0 : i32
    %c0_i32_0 = arith.constant 0 : i32
    %c0_i32_1 = arith.constant 0 : i32
    return %c0_i32, %c0_i32_0 : i32, i32
  }
  func.func @transform_3(%arg0: i32) -> (i32, i32) {
    %c0_i32 = arith.constant 0 : i32
    %c0_i32_0 = arith.constant 0 : i32
    %c0_i32_1 = arith.constant 0 : i32
    return %c0_i32, %c0_i32_0 : i32, i32
  }
  func.func @transform_4(%arg0: i32) -> (i32, i32) {
    %c0_i32 = arith.constant 0 : i32
    %c0_i32_0 = arith.constant 0 : i32
    return %arg0, %c0_i32 : i32, i32
  }
  func.func @transform_5(%arg0: i32) -> (i32, i32) {
    %c0_i32 = arith.constant 0 : i32
    %c0_i32_0 = arith.constant 0 : i32
    return %arg0, %c0_i32 : i32, i32
  }
}

module attributes {stable_mosaic.version = 14 : i64} {
  func.func @_mlp_body(%arg0: i32, %arg1: memref<4000x128xf32, #tpu.memory_space<vmem>>, %arg2: memref<4000x128xf32, #tpu.memory_space<vmem>>, %arg3: memref<128x64xf32, #tpu.memory_space<vmem>>, %arg4: memref<1x64xf32, #tpu.memory_space<vmem>>, %arg5: memref<64x1xf32, #tpu.memory_space<vmem>>, %arg6: memref<1x1xf32, #tpu.memory_space<vmem>>, %arg7: memref<4000x1xf32, #tpu.memory_space<vmem>>) attributes {dimension_semantics = [#tpu.dimension_semantics<arbitrary>], iteration_bounds = array<i64: 80>, scalar_prefetch = 0 : i64, scratch_operands = 0 : i64, tpu.core_type = #tpu.core_type<tc>, window_params = [{transform_indices = @transform_0, window_bounds = array<i64: 4000, 128>}, {transform_indices = @transform_1, window_bounds = array<i64: 4000, 128>}, {pipeline_mode = #tpu.pipeline_mode<synchronous>, transform_indices = @transform_2, window_bounds = array<i64: 128, 64>}, {pipeline_mode = #tpu.pipeline_mode<synchronous>, transform_indices = @transform_3, window_bounds = array<i64: 1, 64>}, {pipeline_mode = #tpu.pipeline_mode<synchronous>, transform_indices = @transform_4, window_bounds = array<i64: 64, 1>}, {pipeline_mode = #tpu.pipeline_mode<synchronous>, transform_indices = @transform_5, window_bounds = array<i64: 1, 1>}, {transform_indices = @transform_6, window_bounds = array<i64: 4000, 1>}]} {
    %get3A = arith.constant 0 : index
    %get3A_0 = arith.constant 0 : index
    %get3A_1 = vector.load %arg1[%get3A, %get3A_0] : memref<4000x128xf32, #tpu.memory_space<vmem>>, vector<4000x128xf32>
    %get3A_2 = arith.constant 0 : index
    %get3A_3 = arith.constant 0 : index
    %get3A_4 = vector.load %arg2[%get3A_2, %get3A_3] : memref<4000x128xf32, #tpu.memory_space<vmem>>, vector<4000x128xf32>
    %add3A = arith.addf %get3A_1, %get3A_4 : vector<4000x128xf32>
    %max3A = arith.constant 0.000000e+00 : f32
    %max3A_5 = vector.broadcast %max3A : f32 to vector<4000x128xf32>
    %max3A_6 = arith.maximumf %add3A, %max3A_5 : vector<4000x128xf32>
    %get3A_7 = arith.constant 0 : index
    %get3A_8 = arith.constant 0 : index
    %get3A_9 = vector.load %arg3[%get3A_7, %get3A_8] : memref<128x64xf32, #tpu.memory_space<vmem>>, vector<128x64xf32>
    %dot_general3A = arith.constant dense<0.000000e+00> : vector<4000x64xf32>
    %dot_general3A_10 = tpu.matmul %max3A_6, %get3A_9, %dot_general3A {dimension_numbers = #tpu.dot_dimension_numbers<[1], [0], [0], [1], [0, 0, 1, 1], [], []>, transpose_lhs_hint = false} : vector<4000x128xf32>, vector<128x64xf32>, vector<4000x64xf32> -> vector<4000x64xf32>
    %get3A_11 = arith.constant 0 : index
    %get3A_12 = arith.constant 0 : index
    %get3A_13 = vector.load %arg4[%get3A_11, %get3A_12] : memref<1x64xf32, #tpu.memory_space<vmem>>, vector<1x64xf32>
    %add3A_14 = vector.broadcast %get3A_13 : vector<1x64xf32> to vector<4000x64xf32>
    %add3A_15 = arith.addf %dot_general3A_10, %add3A_14 : vector<4000x64xf32>
    %max3A_16 = arith.constant 0.000000e+00 : f32
    %max3A_17 = vector.broadcast %max3A_16 : f32 to vector<4000x64xf32>
    %max3A_18 = arith.maximumf %add3A_15, %max3A_17 : vector<4000x64xf32>
    %get3A_19 = arith.constant 0 : index
    %get3A_20 = arith.constant 0 : index
    %get3A_21 = vector.load %arg5[%get3A_19, %get3A_20] : memref<64x1xf32, #tpu.memory_space<vmem>>, vector<64x1xf32>
    %dot_general3A_22 = arith.constant dense<0.000000e+00> : vector<4000x1xf32>
    %dot_general3A_23 = tpu.matmul %max3A_18, %get3A_21, %dot_general3A_22 {dimension_numbers = #tpu.dot_dimension_numbers<[1], [0], [0], [1], [0, 0, 1, 1], [], []>, transpose_lhs_hint = false} : vector<4000x64xf32>, vector<64x1xf32>, vector<4000x1xf32> -> vector<4000x1xf32>
    %get3A_24 = arith.constant 0 : index
    %get3A_25 = arith.constant 0 : index
    %get3A_26 = vector.load %arg6[%get3A_24, %get3A_25] : memref<1x1xf32, #tpu.memory_space<vmem>>, vector<1x1xf32>
    %add3A_27 = vector.broadcast %get3A_26 : vector<1x1xf32> to vector<4000x1xf32>
    %add3A_28 = arith.addf %dot_general3A_23, %add3A_27 : vector<4000x1xf32>
    %logistic3A = arith.negf %add3A_28 : vector<4000x1xf32>
    %logistic3A_29 = math.exp %logistic3A : vector<4000x1xf32>
    %logistic3A_30 = arith.constant 1.000000e+00 : f32
    %logistic3A_31 = vector.broadcast %logistic3A_30 : f32 to vector<4000x1xf32>
    %logistic3A_32 = arith.addf %logistic3A_31, %logistic3A_29 : vector<4000x1xf32>
    %logistic3A_33 = arith.divf %logistic3A_31, %logistic3A_32 : vector<4000x1xf32>
    %swap3A = arith.constant 0 : index
    %swap3A_34 = arith.constant 0 : index
    %swap3A_35 = vector.load %arg7[%swap3A, %swap3A_34] : memref<4000x1xf32, #tpu.memory_space<vmem>>, vector<4000x1xf32>
    tpu.vector_store %arg7[%swap3A, %swap3A_34], %logistic3A_33 {strides = array<i32>} : memref<4000x1xf32, #tpu.memory_space<vmem>>, vector<4000x1xf32>,
    return
  }
  func.func @transform_0(%arg0: i32) -> (i32, i32) {
    %c0_i32 = arith.constant 0 : i32
    %c0_i32_0 = arith.constant 0 : i32
    return %arg0, %c0_i32 : i32, i32
  }
  func.func @transform_1(%arg0: i32) -> (i32, i32) {
    %c0_i32 = arith.constant 0 : i32
    %c0_i32_0 = arith.constant 0 : i32
    return %arg0, %c0_i32 : i32, i32
  }
  func.func @transform_2(%arg0: i32) -> (i32, i32) {
    %c0_i32 = arith.constant 0 : i32
    %c0_i32_0 = arith.constant 0 : i32
    %c0_i32_1 = arith.constant 0 : i32
    return %c0_i32, %c0_i32_0 : i32, i32
  }
  func.func @transform_3(%arg0: i32) -> (i32, i32) {
    %c0_i32 = arith.constant 0 : i32
    %c0_i32_0 = arith.constant 0 : i32
    %c0_i32_1 = arith.constant 0 : i32
    return %c0_i32, %c0_i32_0 : i32, i32
  }
  func.func @transform_4(%arg0: i32) -> (i32, i32) {
    %c0_i32 = arith.constant 0 : i32
    %c0_i32_0 = arith.constant 0 : i32
    %c0_i32_1 = arith.constant 0 : i32
    return %c0_i32, %c0_i32_0 : i32, i32
  }
  func.func @transform_5(%arg0: i32) -> (i32, i32) {
    %c0_i32 = arith.constant 0 : i32
    %c0_i32_0 = arith.constant 0 : i32
    %c0_i32_1 = arith.constant 0 : i32
    return %c0_i32, %c0_i32_0 : i32, i32
  }
  func.func @transform_6(%arg0: i32) -> (i32, i32) {
    %c0_i32 = arith.constant 0 : i32
    %c0_i32_0 = arith.constant 0 : i32
    return %arg0, %c0_i32 : i32, i32
  }
}

</mosaic_0001>

<sc_bundles>
// kernel: kernel.11.cloned.1.call-start
scs
__scs_entry_jumppad:
0x0: {  	(pc) =	sbr.rel $0x88, $3  }
0x1: {  	(tag) =	ssettag $0x0;
	lr =	simm.s32 $0x1  }
0x2: {  	[smem:$0x3F95] =	sst lr;
	_ =	strace $0xD0000000  }
0x3: {  	_ = 	snop  }
0x4: {  	_ = 	snop  }
0x5: {  	_ = 	snop  }
0x6: {  	_ = 	snop  }
0x7: {  	_ = 	snop  }
__scs_overlays_trampoline_lowered:
0x8: {  	[smem:$0x3FA4] =	sst s0  }
0x9: {  	[smem:$0x3FA5] =	sst s1  }
0xa: {  	[smem:$0x3FA6] =	sst s2  }
0xb: {  	[smem:$0x3FA7] =	sst s3  }
0xc: {  	[smem:$0x3FA8] =	sst s4  }
0xd: {  	[smem:$0x3FA9] =	sst s5  }
0xe: {  	[smem:$0x3FAA] =	sst s6  }
0xf: {  	[smem:$0x3FAB] =	sst s7  }
0x10: {  	[smem:$0x3FAC] =	sst s8  }
0x11: {  	[smem:$0x3FAD] =	sst s9;
	s0 =	simm.s32 @!p0 $0x0  }
0x12: {  	s1 =	sld [smem:$0x3F93];
	s0 =	simm.s32 @p0 $0x1  }
0x13: {  	[smem:$0x3FAE] =	sst s0;
	s0 =	simm.s32 @!p1 $0x0  }
0x14: {  	s2 =	sld [smem:$0x3F92];
	s0 =	simm.s32 @p1 $0x1  }
0x15: {  	[smem:$0x3FAF] =	sst s0;
	s0 =	simm.s32 @!p2 $0x0  }
0x16: {  	s3 =	sld [smem:$0x3FDB];
	s0 =	simm.s32 @p2 $0x1  }
0x17: {  	s4 =	simm.s32 $0x1BF5;
	[smem:$0x3FB1] =	sst s0  }
0x18: {  	s0 =	sld [smem:$0x3F94];
	_ =	swait.ge [sflag:s4], $0x0  }
0x19: {  	s7 =	sld [smem:$0x3F95]  }
0x1a: {  	s8 =	sadd.s32 $0xFFFFE003, lr  }
0x1b: {  	s9 =	sadd.s32 $0xFFFFFEF7, lr;
	s5 =	simm.s32 $0xFFFFFFFF;
	p2 =	slt.u32 s8, $0xFFFFF086  }
0x1c: {  	p1 =	slt.u32 s9, $0xF7A;
	s5 =	simm.s32 @!p2 $0x0  }
0x1d: {  	s5 =	simm.s32 @p1 $0x1;
	p0 =	seq.s32 s7, s2  }
0x1e: {  	s7 =	smul.u32 @!p0 $0xF7A, s2;
	p2 =	seq.s32 @!p0 s5, $0x0  }
0x1f: {  	s9 =	smul.u32 $0xF7A, s1;
	s8 =	simm.s32 @!p0 $0x1BF5;
	p2 =	por !p2, p0  }
0x20: {  	[sflag:s8] =	ssyncset.s32 @!p0 $0xFFFFF086;
	s6 =	sadd.s32 @!p0 s3, s7;
	s7 =	simm.s32 @!p0 $0x108  }
0x21: {  	s3 =	sadd.s32 s3, s9;
	s6 =	sadd.s32 @!p0 $0x88, s6;
	s7 =	simm.s32 @p2 $0x1082  }
0x22: {  	[simem:s7], [sflag:s8] =	dma.local @!p0 [hbm:s6], $0xF7A  }
0x23: {  	s9 =	sor.u32 $0xD0000000, s2;
	s6 =	simm.s32 $0x108;
	_ =	swait.ge @!p0 [sflag:s8], $0x0  }
0x24: {  	s3 =	sadd.s32 $0x88, s3;
	s6 =	simm.s32 @!p1 $0x1082;
	[sflag:s4] =	ssyncset.s32 $0xFFFFF086  }
0x25: {  	[simem:s6], [sflag:s4] =	dma.local [hbm:s3], $0xF7A  }
0x26: {  	[smem:$0x3F95] =	sst s1;
	(tag) =	ssettag s2;
	_ =	strace s9  }
0x27: {  	s1 =	sld [smem:$0x3FA5]  }
0x28: {  	s2 =	sld [smem:$0x3FA6]  }
0x29: {  	s4 =	sld [smem:$0x3FA8]  }
0x2a: {  	p0 =	seq.s32 s5, $0x0;
	s5 =	sld [smem:$0x3FA9]  }
0x2b: {  	s6 =	sld [smem:$0x3FAA]  }
0x2c: {  	s7 =	sld [smem:$0x3FAB]  }
0x2d: {  	s3 =	simm.s32 $0x108;
	s8 =	sld [smem:$0x3FAC]  }
0x2e: {  	s3 =	simm.s32 @!p0 $0x1082;
	s9 =	sld [smem:$0x3FAD]  }
0x2f: {  	lr =	sadd.s32 s0, s3;
	s0 =	sld [smem:$0x3FA4]  }
0x30: {  	s3 =	sld [smem:$0x3FA7]  }
0x31: {  	[smem:$0x3FB0] =	sst s10  }
0x32: {  	s10 =	sld [smem:$0x3FAE];
	_ =	sdelay $0x3  }
0x33: {  	p0 =	seq.s32 s10, $0x1;
	s10 =	sld [smem:$0x3FB0];
	_ =	sdelay $0x3  }
0x34: {  	[smem:$0x3FB0] =	sst s10  }
0x35: {  	s10 =	sld [smem:$0x3FAF];
	_ =	sdelay $0x3  }
0x36: {  	p1 =	seq.s32 s10, $0x1;
	s10 =	sld [smem:$0x3FB0];
	_ =	sdelay $0x3  }
0x37: {  	[smem:$0x3FB0] =	sst s10  }
0x38: {  	s10 =	sld [smem:$0x3FB1]  }
0x39: {  	_ = 	snop;
	(pc) =	sbr.ind lr, $3  }
0x3a: {  	_ = 	snop  }
0x3b: {  	_ = 	snop  }
0x3c: {  	p2 =	seq.s32 s10, $0x1;
	s10 =	sld [smem:$0x3FB0]  }
0x3d: {  	_ =	shalt  }
0x3e: {  	_ =	shalt  }
0x3f: {  	_ =	shalt  }
0x40: {  	_ =	shalt  }
0x41: {  	_ =	shalt  }
0x42: {  	_ =	shalt  }
0x43: {  	_ =	shalt  }
0x44: {  	_ =	shalt  }
0x45: {  	_ =	shalt  }
0x46: {  	_ =	shalt  }
0x47: {  	_ =	shalt  }
0x48: {  	_ =	shalt  }
0x49: {  	_ =	shalt  }
0x4a: {  	_ =	shalt  }
0x4b: {  	_ =	shalt  }
0x4c: {  	_ =	shalt  }
0x4d: {  	_ =	shalt  }
0x4e: {  	_ =	shalt  }
0x4f: {  	_ =	shalt  }
0x50: {  	_ =	shalt  }
0x51: {  	_ =	shalt  }
0x52: {  	_ =	shalt  }
0x53: {  	_ =	shalt  }
0x54: {  	_ =	shalt  }
0x55: {  	_ =	shalt  }
0x56: {  	_ =	shalt  }
0x57: {  	_ =	shalt  }
0x58: {  	_ =	shalt  }
0x59: {  	_ =	shalt  }
0x5a: {  	_ =	shalt  }
0x5b: {  	_ =	shalt  }
0x5c: {  	_ =	shalt  }
0x5d: {  	_ =	shalt  }
0x5e: {  	_ =	shalt  }
0x5f: {  	_ =	shalt  }
0x60: {  	_ =	shalt  }
0x61: {  	_ =	shalt  }
0x62: {  	_ =	shalt  }
0x63: {  	_ =	shalt  }
0x64: {  	_ =	shalt  }
0x65: {  	_ =	shalt  }
0x66: {  	_ =	shalt  }
0x67: {  	_ =	shalt  }
0x68: {  	_ =	shalt  }
0x69: {  	_ =	shalt  }
0x6a: {  	_ =	shalt  }
0x6b: {  	_ =	shalt  }
0x6c: {  	_ =	shalt  }
0x6d: {  	_ =	shalt  }
0x6e: {  	_ =	shalt  }
0x6f: {  	_ =	shalt  }
0x70: {  	_ =	shalt  }
0x71: {  	_ =	shalt  }
0x72: {  	_ =	shalt  }
0x73: {  	_ =	shalt  }
0x74: {  	_ =	shalt  }
0x75: {  	_ =	shalt  }
0x76: {  	_ =	shalt  }
0x77: {  	_ =	shalt  }
0x78: {  	_ =	shalt  }
0x79: {  	_ =	shalt  }
0x7a: {  	_ =	shalt  }
0x7b: {  	_ =	shalt  }
0x7c: {  	_ =	shalt  }
0x7d: {  	_ =	shalt  }
0x7e: {  	_ =	shalt  }
0x7f: {  	_ =	shalt  }
0x80: {  	_ =	shalt  }
0x81: {  	_ =	shalt  }
0x82: {  	_ =	shalt  }
0x83: {  	_ =	shalt  }
0x84: {  	_ =	shalt  }
0x85: {  	_ =	shalt  }
0x86: {  	_ =	shalt  }
0x87: {  	_ =	shalt  }
.Lfunc_end0:
.L_simem_size_0:
called_computation_lowered:
.L_overlay_start_0:
0x88: {  	s2 =	sld [smem:$0x3FD9]  }
0x89: {  	s3 =	sld [smem:$0x3FFE];
	_ =	sdelay $0x1  }
0x8a: {  	s1 =	srdreg.scid  }
0x8b: {  	s0 =	sand.u32 $0x1, s1  }
0x8c: {  	s17 =	sshll.u32 s0, $0xA;
	s2 =	sadd.s32 s3, s2  }
0x8d: {  	s2 =	sadd.s32 s2, s17  }
0x8e: {  	[smem:$0x3FBC] =	sst s2  }
0x8f: {  	_ = 	snop  }
0x90: {  	s2 =	sld [smem:$0x3FD0];
	(tm) =	ssettm $0x1  }
0x91: {  	s18 =	sld [smem:$0x3FFB];
	_ =	sdelay $0x3  }
0x92: {  	_ =	strace s18  }
0x93: {  	s3 =	sld [smem:$0x3FFC];
	_ =	sdelay $0x3  }
0x94: {  	_ =	strace s3  }
0x95: {  	s3 =	sld [smem:$0x3FFD];
	_ =	sdelay $0x3  }
0x96: {  	_ =	strace s3  }
0x97: {  	_ =	strace $0x8FFFFFFF  }
0x98: {  	s19 =	sld [smem:$0x3FDB];
	_ =	sdelay $0x1  }
0x99: {  	s4 =	simm.s32 $_scs_section_size  }
0x9a: {  	s5 =	simm.s32 $_size__tile_overlayer_lowered;
	s6 =	simm.s32 $_tile_overlayer_lowered  }
0x9b: {  	s22 =	simm.s32 $0x1BFF;
	s21 =	sshll.u32 s6, $0x1;
	s3 =	sadd.s32 s4, s19  }
0x9c: {  	s7 =	simm.s32 $0x0;
	s20 =	sshll.u32 s5, $0x1;
	s5 =	sadd.s32 s21, s3  }
0x9d: {  	[timem:s7], [sflag:s22] =	dma.local [hbm:s5], s20  }
0x9e: {  	_ =	swait.ge [sflag:s22], s20  }
0x9f: {  	s4 =	ssub.s32 $0x0, s20;
	[sflag:s22] =	ssyncset.done $0x0  }
0xa0: {  	[sflag:s22] =	ssyncadd.s32 s4;
	_ =	sdelay $0x1  }
0xa1: {  	s23 =	simm.s32 $0x1B8B  }
0xa2: {  	_ =	swait.ge [sflag:s23], $0x1  }
0xa3: {  	[sflag:s23] =	ssyncset.done $0x0  }
0xa4: {  	s25 =	simm.s32 $0x1B8E;
	s24 =	sld [smem:$0x3FFE];
	[sflag:s23] =	ssyncadd.s32 $0xFFFFFFFF  }
0xa5: {  	s26 =	simm.s32 $execute0_lowered;
	[smem:$0x3FD2] =	sst s25  }
0xa6: {  	s5 =	sshll.u32 s26, $0x1;
	_ =	strace $0x80000046;
	[dreg:$0x1] =	wrdreg $0xFFFFFFFF  }
0xa7: {  	s28 =	simm.s32 $_size_execute0_lowered;
	s3 =	sadd.s32 s3, s5;
	[dreg:$0x0] =	wrdreg $0x0  }
0xa8: {  	s5 =	sshll.u32 s28, $0x1;
	[dreg:$0x2] =	wrdreg s3  }
0xa9: {  	[dreg:$0x3] =	wrdreg s5  }
0xaa: {  	[dreg:$0x4] =	wrdreg $0xC0  }
0xab: {  	_ =	task [dreg:s7], $0x5FFFF  }
0xac: {  	[dreg:$0x1] =	wrdreg $0xFFFFFFFF  }
0xad: {  	[dreg:$0x0] =	wrdreg $0x60  }
0xae: {  	[dreg:$0x2] =	wrdreg s24  }
0xaf: {  	[dreg:$0x3] =	wrdreg s2  }
0xb0: {  	[dreg:$0x4] =	wrdreg $0x4F800  }
0xb1: {  	[dreg:$0x5] =	wrdreg $0x9  }
0xb2: {  	_ =	task.clear_ibuf [dreg:s7], $0x6FFFF;
	_ =	strace $0x90000046  }
0xb3: {  	s29 =	simm.s32 $0x9;
	_ =	strace $0x80000048  }
0xb4: {  	_ =	swait.ge [sflag:s29], $0x1  }
0xb5: {  	[sflag:s29] =	ssyncadd.s32 $0xFFFFFFFF  }
0xb6: {  	_ =	strace $0x90000048  }
0xb7: {  	_ =	sfence  }
0xb8: {  	s30 =	sld [smem:$0x0];
	_ =	sdelay $0x2  }
0xb9: {  	s31 =	sshll.u32 s1, $0xD;
	s1 =	sshrl.u32 s1, $0x2  }
0xba: {  	s3 =	sand.u32 $0x4000, s31;
	s1 =	sadd.s32 s1, s30  }
0xbb: {  	s0 =	sor.u32 s3, s0;
	s1 =	sshll.u32 s1, $0x11  }
0xbc: {  	s0 =	sor.u32 s1, s0  }
0xbd: {  	s0 =	sadd.s32 $0x8F2B, s0  }
0xbe: {  	[sflag:s0] =	ssyncadd.remote.s32 $0x1  }
0xbf: {  	_ =	sfence.sel $0xFFFF  }
0xc0: {  	[dreg:$0x0] =	wrdreg $0xFFFFFFFF;
	(pc) =	sbr.abs _section_cstart, $3  }
0xc1: {  	[dreg:$0x1] =	wrdreg $0xFFFFFFFF  }
0xc2: {  	_ =	task.clear_ibuf [dreg:s7], $0x2FFFF;
	_ =	strace $0x9FFFFFFF  }
0xc3: {  	(tm) =	ssettm $0x7FFFFFFF  }
tec
execute0_lowered:
.L_overlay_start_1:
0x0: {  	(tag) =	ssettag $0x1  }
0x1: {  	s3 =	rddreg [dreg:$0x0];
	s0 =	srdreg.scid  }
0x2: {  	s6 =	stileid.u32;
	s4 =	rddreg [dreg:$0x1]  }
0x3: {  	s1 =	rddreg [dreg:$0x2];
	s2 =	simm.s32 $0x0;
	s10 =	simm.s32 $0x0  }
0x4: {  	s5 =	sand.u32 $0x1, s0;
	s7 =	smul.u32 $0x9C40, s6;
	s0 =	rddreg [dreg:$0x3]  }
0x5: {  	[smem:$0x7FF] =	sst s2;
	p0 =	sne.s32 s6, $0x0;
	s8 =	smul.u32 $0x4E20, s5  }
0x6: {  	s6 =	simm.s32 $0x100;
	s30 =	ssub.s32 $0x2, s5;
	_ =	strace $0x80000047  }
0x7: {  	s31 =	sshll.u32 s5, $0x4;
	s9 =	sshrl.u32 s30, $0x1;
	s7 =	sadd.s32 s8, s7  }
0x8: {  	s8 =	ssub.s32 s30, s9;
	s9 =	simm.s32 $0x80;
	s7 =	sshrl.u32 s7, $0x3  }
0x9: {  	s7 =	sadd.s32 s7, s3;
	s3 =	sadd.s32 s4, s31;
	s4 =	smax.u32 s8, $0x1  }
0xa: {  	v0 =	vimm.f32 $1.000000000e+00;
	v1 =	vimm.f32 $0.0e+00;
	s8 =	simm.s32 $0x50;
	s5 =	sadd.s32 $0x16800, s7;
	s7 =	simm.s32 $0x1  }
.LBB2_1:
.Ltmp0:
0xb: {  	[tilespmem:$0x80] =	vst v0;
	(pc) =	sbr.rel @p0 .LBB2_5-.Ltmp0, $4  }
0xc: {  	[tilespmem:$0x90] =	vst v0  }
0xd: {  	[tilespmem:$0xA0] =	vst v0  }
0xe: {  	[tilespmem:$0xB0] =	vst v0  }
0xf: {  	[tilespmem:$0xC0] =	vst v0  }
0x10: {  	s11 =	simm.s32 $0x40;
	s12 =	simm.s32 $0x0  }
.LBB2_3:
0x11: {  	p1 =	sne.s32 s11, $0x13840;
	[tilespmem:s12+$0x100] =	vst v1;
	s12 =	smov.u32 s11;
	s11 =	sadd.s32 $0x40, s11  }
.Ltmp1:
0x12: {  	(pc) =	sbr.rel @p1 .LBB2_3-.Ltmp1, $2  }
0x13: {  	_ =	sdelay $0x2  }
0x14: {  	s12 =	sshra.s32 s12, $0x2  }
0x15: {  	[tilespmem:s12+$0x100] =	vst v1  }
0x16: {  	[spmem:s1] =	stream.linear.scatter [tilespmem:s6], [sflag:$0x1], $0x4E80, $0x38;
	[tilespmem:$0x5468] =	vst v63  }
0x17: {  	_ =	swait.ge [sflag:s7], $0x4E80  }
0x18: {  	[sflag:s7] =	ssyncset.done $0x0  }
0x19: {  	[sflag:s7] =	ssyncadd.s32 $0xFFFFB180  }
.LBB2_5:
0x1a: {  	[bflag:$0x0] =	sbarrier.arrive $0xFFFF;
	s11 =	sadd.s32 $0x0, s5  }
0x1b: {  	[tilespmem:s2], [sflag:$0x1] =	stream.linear.gather [hbm4b:s11+s2], $0x50, $0x38;
	[tilespmem:$0x5468] =	vst v63  }
0x1c: {  	_ =	swait.ge [sflag:s7], $0x50  }
0x1d: {  	[sflag:s7] =	ssyncset.done $0x0  }
0x1e: {  	[sflag:s7] =	ssyncadd.s32 $0xFFFFFFB0  }
0x1f: {  	[spmem:s1] =	stream.indirect.scatter.add.f32 [tilespmem:s9], [sflag:$0x1], $0x1, s2, s8, $0xb8;
	[tilespmem:$0x5468] =	vst v63  }
0x20: {  	_ =	swait.ge [sflag:s7], $0x50  }
0x21: {  	s12 =	simm.s32 $0x14;
	s11 =	simm.s32 $0xA;
	[sflag:s7] =	ssyncset.done $0x0  }
.LBB2_6:
0x22: {  	s13 =	sadd.s32 s11, s5  }
0x23: {  	[sflag:s7] =	ssyncadd.s32 $0xFFFFFFB0;
	s11 =	smov.u32 s12;
	s14 =	sadd.s32 $0xA, s12  }
0x24: {  	[tilespmem:s2], [sflag:$0x1] =	stream.linear.gather [hbm4b:s13+s2], $0x50, $0x38;
	[tilespmem:$0x5468] =	vst v63  }
0x25: {  	p1 =	sne.s32 s12, $0x9BA;
	_ =	swait.ge [sflag:s7], $0x50  }
.Ltmp2:
0x26: {  	[sflag:s7] =	ssyncset.done $0x0;
	(pc) =	sbr.rel @p1 .LBB2_6-.Ltmp2, $4  }
0x27: {  	[sflag:s7] =	ssyncadd.s32 $0xFFFFFFB0  }
0x28: {  	[spmem:s1] =	stream.indirect.scatter.add.f32 [tilespmem:s9], [sflag:$0x1], $0x1, s2, s8, $0xb8;
	[tilespmem:$0x5468] =	vst v63  }
0x29: {  	_ =	swait.ge [sflag:s7], $0x50  }
0x2a: {  	s12 =	smov.u32 s14;
	[sflag:s7] =	ssyncset.done $0x0  }
0x2b: {  	s11 =	sadd.s32 s11, s5;
	[sflag:s7] =	ssyncadd.s32 $0xFFFFFFB0  }
0x2c: {  	[tilespmem:s2], [sflag:$0x1] =	stream.linear.gather [hbm4b:s11+s2], $0x50, $0x38;
	[tilespmem:$0x5468] =	vst v63  }
0x2d: {  	_ =	swait.ge [sflag:s7], $0x50  }
0x2e: {  	[sflag:s7] =	ssyncset.done $0x0  }
0x2f: {  	[sflag:s7] =	ssyncadd.s32 $0xFFFFFFB0  }
0x30: {  	[spmem:s1] =	stream.indirect.scatter.add.f32 [tilespmem:s9], [sflag:$0x1], $0x1, s2, s8, $0xb8;
	[tilespmem:$0x5468] =	vst v63  }
0x31: {  	_ =	swait.ge [sflag:s7], $0x50  }
0x32: {  	[sflag:s7] =	ssyncset.done $0x0  }
0x33: {  	[sflag:s7] =	ssyncadd.s32 $0xFFFFFFB0  }
0x34: {  	s12 =	simm.s32 @!p0 $0x1;
	s11 =	simm.s32 @!p0 $0x100;
	[bflag:$0x0] =	sbarrier.arrive $0xFFFF  }
0x35: {  	[tilespmem:s11], [sflag:$0x1] =	stream.linear.gather @!p0 [spmem:s1], $0x4E80, $0x38;
	[tilespmem:$0x5468] =	vst v63  }
0x36: {  	s10 =	sadd.s32 $0x1, s10;
	_ =	swait.ge @!p0 [sflag:s12], $0x4E80  }
0x37: {  	p1 =	sne.s32 s10, s4;
	[sflag:s12] =	ssyncset.done @!p0 $0x0  }
.Ltmp3:
0x38: {  	s13 =	simm.s32 @!p0 $0x80;
	[sflag:s12] =	ssyncadd.s32 @!p0 $0xFFFFB180;
	(pc) =	sbr.rel @p1 .LBB2_1-.Ltmp3, $4  }
0x39: {  	[hbm4b:s3+s13] =	stream.strided.scatter @!p0 [tilespmem:s11], [sflag:$0x1], $0x4E80, s11, s13, $0x38;
	[tilespmem:$0x5468] =	vst v63  }
0x3a: {  	_ =	swait.ge @!p0 [sflag:s12], $0x4E80  }
0x3b: {  	[sflag:s12] =	ssyncset.done @!p0 $0x0  }
0x3c: {  	[sflag:s12] =	ssyncadd.s32 @!p0 $0xFFFFB180  }
0x3d: {  	_ =	sfence.sel $0x180000  }
0x3e: {  	[bflag:$0x0] =	sbarrier.arrive $0xFFFF  }
0x3f: {  	_ =	strace $0x90000047  }
0x40: {  	s0 =	sadd.s32 @!p0 $0x100000, s0;
	[bflag:$0x2] =	sbarrier.arrive $0xFFFF  }
0x41: {  	[sflag:s0] =	ssyncadd.tile.s32 @!p0 $0x1;
	_ =	shalt  }
.Lfunc_end2:
_tile_overlayer_lowered:
.L_overlay_start_2:
0x42: {  	(tag) =	ssettag $0x2  }
0x43: {  	s0 =	rddreg [dreg:$0x0];
	s2 =	stileid.u32  }
0x44: {  	s1 =	rddreg [dreg:$0x1];
	p0 =	sne.s32 s2, $0x0  }
0x45: {  	s3 =	rddreg [dreg:$0x2];
	[bflag:$0x3] =	sbarrier.arrive $0xFFFF;
	s2 =	simm.s32 @!p0 $0x1C01  }
0x46: {  	[timem:s3], [sflag:s2] =	dma.local @!p0 [hbm:s0], s1  }
0x47: {  	s0 =	simm.s32 @!p0 $0x1  }
0x48: {  	_ =	swait.ge @!p0 [sflag:s0], s1  }
0x49: {  	s1 =	ssub.s32 @!p0 $0x0, s1;
	[sflag:s0] =	ssyncset.done @!p0 $0x0  }
0x4a: {  	[sflag:s0] =	ssyncadd.s32 @!p0 s1  }
0x4b: {  	[bflag:$0x3] =	sbarrier.arrive $0xFFFF  }
0x4c: {  	_ =	shalt  }

// kernel: kernel.14.cloned.1.call-start
scs
__scs_entry_jumppad:
0x0: {  	(pc) =	sbr.rel $0x88, $3  }
0x1: {  	(tag) =	ssettag $0x0;
	lr =	simm.s32 $0x1  }
0x2: {  	[smem:$0x3F95] =	sst lr;
	_ =	strace $0xD0000000  }
0x3: {  	_ = 	snop  }
0x4: {  	_ = 	snop  }
0x5: {  	_ = 	snop  }
0x6: {  	_ = 	snop  }
0x7: {  	_ = 	snop  }
__scs_overlays_trampoline_lowered:
0x8: {  	[smem:$0x3FA4] =	sst s0  }
0x9: {  	[smem:$0x3FA5] =	sst s1  }
0xa: {  	[smem:$0x3FA6] =	sst s2  }
0xb: {  	[smem:$0x3FA7] =	sst s3  }
0xc: {  	[smem:$0x3FA8] =	sst s4  }
0xd: {  	[smem:$0x3FA9] =	sst s5  }
0xe: {  	[smem:$0x3FAA] =	sst s6  }
0xf: {  	[smem:$0x3FAB] =	sst s7  }
0x10: {  	[smem:$0x3FAC] =	sst s8  }
0x11: {  	[smem:$0x3FAD] =	sst s9;
	s0 =	simm.s32 @!p0 $0x0  }
0x12: {  	s1 =	sld [smem:$0x3F93];
	s0 =	simm.s32 @p0 $0x1  }
0x13: {  	[smem:$0x3FAE] =	sst s0;
	s0 =	simm.s32 @!p1 $0x0  }
0x14: {  	s2 =	sld [smem:$0x3F92];
	s0 =	simm.s32 @p1 $0x1  }
0x15: {  	[smem:$0x3FAF] =	sst s0;
	s0 =	simm.s32 @!p2 $0x0  }
0x16: {  	s3 =	sld [smem:$0x3FDB];
	s0 =	simm.s32 @p2 $0x1  }
0x17: {  	s4 =	simm.s32 $0x1BF5;
	[smem:$0x3FB1] =	sst s0  }
0x18: {  	s0 =	sld [smem:$0x3F94];
	_ =	swait.ge [sflag:s4], $0x0  }
0x19: {  	s7 =	sld [smem:$0x3F95]  }
0x1a: {  	s8 =	sadd.s32 $0xFFFFE003, lr  }
0x1b: {  	s9 =	sadd.s32 $0xFFFFFEF7, lr;
	s5 =	simm.s32 $0xFFFFFFFF;
	p2 =	slt.u32 s8, $0xFFFFF086  }
0x1c: {  	p1 =	slt.u32 s9, $0xF7A;
	s5 =	simm.s32 @!p2 $0x0  }
0x1d: {  	s5 =	simm.s32 @p1 $0x1;
	p0 =	seq.s32 s7, s2  }
0x1e: {  	s7 =	smul.u32 @!p0 $0xF7A, s2;
	p2 =	seq.s32 @!p0 s5, $0x0  }
0x1f: {  	s9 =	smul.u32 $0xF7A, s1;
	s8 =	simm.s32 @!p0 $0x1BF5;
	p2 =	por !p2, p0  }
0x20: {  	[sflag:s8] =	ssyncset.s32 @!p0 $0xFFFFF086;
	s6 =	sadd.s32 @!p0 s3, s7;
	s7 =	simm.s32 @!p0 $0x108  }
0x21: {  	s3 =	sadd.s32 s3, s9;
	s6 =	sadd.s32 @!p0 $0x88, s6;
	s7 =	simm.s32 @p2 $0x1082  }
0x22: {  	[simem:s7], [sflag:s8] =	dma.local @!p0 [hbm:s6], $0xF7A  }
0x23: {  	s9 =	sor.u32 $0xD0000000, s2;
	s6 =	simm.s32 $0x108;
	_ =	swait.ge @!p0 [sflag:s8], $0x0  }
0x24: {  	s3 =	sadd.s32 $0x88, s3;
	s6 =	simm.s32 @!p1 $0x1082;
	[sflag:s4] =	ssyncset.s32 $0xFFFFF086  }
0x25: {  	[simem:s6], [sflag:s4] =	dma.local [hbm:s3], $0xF7A  }
0x26: {  	[smem:$0x3F95] =	sst s1;
	(tag) =	ssettag s2;
	_ =	strace s9  }
0x27: {  	s1 =	sld [smem:$0x3FA5]  }
0x28: {  	s2 =	sld [smem:$0x3FA6]  }
0x29: {  	s4 =	sld [smem:$0x3FA8]  }
0x2a: {  	p0 =	seq.s32 s5, $0x0;
	s5 =	sld [smem:$0x3FA9]  }
0x2b: {  	s6 =	sld [smem:$0x3FAA]  }
0x2c: {  	s7 =	sld [smem:$0x3FAB]  }
0x2d: {  	s3 =	simm.s32 $0x108;
	s8 =	sld [smem:$0x3FAC]  }
0x2e: {  	s3 =	simm.s32 @!p0 $0x1082;
	s9 =	sld [smem:$0x3FAD]  }
0x2f: {  	lr =	sadd.s32 s0, s3;
	s0 =	sld [smem:$0x3FA4]  }
0x30: {  	s3 =	sld [smem:$0x3FA7]  }
0x31: {  	[smem:$0x3FB0] =	sst s10  }
0x32: {  	s10 =	sld [smem:$0x3FAE];
	_ =	sdelay $0x3  }
0x33: {  	p0 =	seq.s32 s10, $0x1;
	s10 =	sld [smem:$0x3FB0];
	_ =	sdelay $0x3  }
0x34: {  	[smem:$0x3FB0] =	sst s10  }
0x35: {  	s10 =	sld [smem:$0x3FAF];
	_ =	sdelay $0x3  }
0x36: {  	p1 =	seq.s32 s10, $0x1;
	s10 =	sld [smem:$0x3FB0];
	_ =	sdelay $0x3  }
0x37: {  	[smem:$0x3FB0] =	sst s10  }
0x38: {  	s10 =	sld [smem:$0x3FB1]  }
0x39: {  	_ = 	snop;
	(pc) =	sbr.ind lr, $3  }
0x3a: {  	_ = 	snop  }
0x3b: {  	_ = 	snop  }
0x3c: {  	p2 =	seq.s32 s10, $0x1;
	s10 =	sld [smem:$0x3FB0]  }
0x3d: {  	_ =	shalt  }
0x3e: {  	_ =	shalt  }
0x3f: {  	_ =	shalt  }
0x40: {  	_ =	shalt  }
0x41: {  	_ =	shalt  }
0x42: {  	_ =	shalt  }
0x43: {  	_ =	shalt  }
0x44: {  	_ =	shalt  }
0x45: {  	_ =	shalt  }
0x46: {  	_ =	shalt  }
0x47: {  	_ =	shalt  }
0x48: {  	_ =	shalt  }
0x49: {  	_ =	shalt  }
0x4a: {  	_ =	shalt  }
0x4b: {  	_ =	shalt  }
0x4c: {  	_ =	shalt  }
0x4d: {  	_ =	shalt  }
0x4e: {  	_ =	shalt  }
0x4f: {  	_ =	shalt  }
0x50: {  	_ =	shalt  }
0x51: {  	_ =	shalt  }
0x52: {  	_ =	shalt  }
0x53: {  	_ =	shalt  }
0x54: {  	_ =	shalt  }
0x55: {  	_ =	shalt  }
0x56: {  	_ =	shalt  }
0x57: {  	_ =	shalt  }
0x58: {  	_ =	shalt  }
0x59: {  	_ =	shalt  }
0x5a: {  	_ =	shalt  }
0x5b: {  	_ =	shalt  }
0x5c: {  	_ =	shalt  }
0x5d: {  	_ =	shalt  }
0x5e: {  	_ =	shalt  }
0x5f: {  	_ =	shalt  }
0x60: {  	_ =	shalt  }
0x61: {  	_ =	shalt  }
0x62: {  	_ =	shalt  }
0x63: {  	_ =	shalt  }
0x64: {  	_ =	shalt  }
0x65: {  	_ =	shalt  }
0x66: {  	_ =	shalt  }
0x67: {  	_ =	shalt  }
0x68: {  	_ =	shalt  }
0x69: {  	_ =	shalt  }
0x6a: {  	_ =	shalt  }
0x6b: {  	_ =	shalt  }
0x6c: {  	_ =	shalt  }
0x6d: {  	_ =	shalt  }
0x6e: {  	_ =	shalt  }
0x6f: {  	_ =	shalt  }
0x70: {  	_ =	shalt  }
0x71: {  	_ =	shalt  }
0x72: {  	_ =	shalt  }
0x73: {  	_ =	shalt  }
0x74: {  	_ =	shalt  }
0x75: {  	_ =	shalt  }
0x76: {  	_ =	shalt  }
0x77: {  	_ =	shalt  }
0x78: {  	_ =	shalt  }
0x79: {  	_ =	shalt  }
0x7a: {  	_ =	shalt  }
0x7b: {  	_ =	shalt  }
0x7c: {  	_ =	shalt  }
0x7d: {  	_ =	shalt  }
0x7e: {  	_ =	shalt  }
0x7f: {  	_ =	shalt  }
0x80: {  	_ =	shalt  }
0x81: {  	_ =	shalt  }
0x82: {  	_ =	shalt  }
0x83: {  	_ =	shalt  }
0x84: {  	_ =	shalt  }
0x85: {  	_ =	shalt  }
0x86: {  	_ =	shalt  }
0x87: {  	_ =	shalt  }
.Lfunc_end0:
.L_simem_size_0:
called_computation.1_lowered:
.L_overlay_start_0:
0x88: {  	s2 =	sld [smem:$0x3FD9]  }
0x89: {  	s3 =	sld [smem:$0x3FFE];
	_ =	sdelay $0x1  }
0x8a: {  	s1 =	srdreg.scid  }
0x8b: {  	s0 =	sand.u32 $0x1, s1  }
0x8c: {  	s16 =	sshll.u32 s0, $0xA;
	s2 =	sadd.s32 s3, s2  }
0x8d: {  	s2 =	sadd.s32 s2, s16  }
0x8e: {  	[smem:$0x3FBC] =	sst s2  }
0x8f: {  	_ = 	snop  }
0x90: {  	(tm) =	ssettm $0x1  }
0x91: {  	s17 =	sld [smem:$0x3FFB];
	_ =	sdelay $0x3  }
0x92: {  	_ =	strace s17  }
0x93: {  	s2 =	sld [smem:$0x3FFC];
	_ =	sdelay $0x3  }
0x94: {  	_ =	strace s2  }
0x95: {  	s2 =	sld [smem:$0x3FFD];
	_ =	sdelay $0x3  }
0x96: {  	_ =	strace s2  }
0x97: {  	_ =	strace $0x8FFFFFFF  }
0x98: {  	s18 =	sld [smem:$0x3FDB];
	_ =	sdelay $0x1  }
0x99: {  	s19 =	simm.s32 $_scs_section_size  }
0x9a: {  	s4 =	simm.s32 $_size__tile_overlayer_lowered;
	s5 =	simm.s32 $_tile_overlayer_lowered  }
0x9b: {  	s22 =	simm.s32 $0x1BFF;
	s21 =	sshll.u32 s5, $0x1;
	s2 =	sadd.s32 s19, s18  }
0x9c: {  	s6 =	simm.s32 $0x0;
	s20 =	sshll.u32 s4, $0x1;
	s4 =	sadd.s32 s21, s2  }
0x9d: {  	[timem:s6], [sflag:s22] =	dma.local [hbm:s4], s20  }
0x9e: {  	_ =	swait.ge [sflag:s22], s20  }
0x9f: {  	s3 =	ssub.s32 $0x0, s20;
	[sflag:s22] =	ssyncset.done $0x0  }
0xa0: {  	[sflag:s22] =	ssyncadd.s32 s3;
	_ =	sdelay $0x1  }
0xa1: {  	s23 =	simm.s32 $0x1B8B  }
0xa2: {  	_ =	swait.ge [sflag:s23], $0x1  }
0xa3: {  	[sflag:s23] =	ssyncset.done $0x0  }
0xa4: {  	s25 =	simm.s32 $0x1B8E;
	s24 =	sld [smem:$0x3FFE];
	[sflag:s23] =	ssyncadd.s32 $0xFFFFFFFF  }
0xa5: {  	s26 =	simm.s32 $execute0_lowered;
	[smem:$0x3FD2] =	sst s25  }
0xa6: {  	s4 =	sshll.u32 s26, $0x1;
	_ =	strace $0x80000049;
	[dreg:$0x1] =	wrdreg $0xFFFFFFFF  }
0xa7: {  	s28 =	simm.s32 $_size_execute0_lowered;
	s2 =	sadd.s32 s2, s4;
	[dreg:$0x0] =	wrdreg $0x0  }
0xa8: {  	s4 =	sshll.u32 s28, $0x1;
	[dreg:$0x2] =	wrdreg s2  }
0xa9: {  	[dreg:$0x3] =	wrdreg s4  }
0xaa: {  	[dreg:$0x4] =	wrdreg $0xC0  }
0xab: {  	_ =	task [dreg:s6], $0x5FFFF  }
0xac: {  	[dreg:$0x1] =	wrdreg $0xFFFFFFFF  }
0xad: {  	[dreg:$0x0] =	wrdreg $0x60  }
0xae: {  	[dreg:$0x2] =	wrdreg s24  }
0xaf: {  	[dreg:$0x3] =	wrdreg $0x69000  }
0xb0: {  	[dreg:$0x4] =	wrdreg $0x9  }
0xb1: {  	_ =	task.clear_ibuf [dreg:s6], $0x5FFFF;
	_ =	strace $0x90000049  }
0xb2: {  	s29 =	simm.s32 $0x9;
	_ =	strace $0x8000004B  }
0xb3: {  	_ =	swait.ge [sflag:s29], $0x1  }
0xb4: {  	[sflag:s29] =	ssyncadd.s32 $0xFFFFFFFF  }
0xb5: {  	_ =	strace $0x9000004B  }
0xb6: {  	_ =	sfence  }
0xb7: {  	s30 =	sld [smem:$0x0];
	_ =	sdelay $0x2  }
0xb8: {  	s31 =	sshll.u32 s1, $0xD;
	s1 =	sshrl.u32 s1, $0x2  }
0xb9: {  	s3 =	sand.u32 $0x4000, s31;
	s1 =	sadd.s32 s1, s30  }
0xba: {  	s0 =	sor.u32 s3, s0;
	s1 =	sshll.u32 s1, $0x11  }
0xbb: {  	s0 =	sor.u32 s1, s0  }
0xbc: {  	s0 =	sadd.s32 $0x8F2B, s0  }
0xbd: {  	[sflag:s0] =	ssyncadd.remote.s32 $0x1  }
0xbe: {  	_ =	sfence.sel $0xFFFF  }
0xbf: {  	[dreg:$0x0] =	wrdreg $0xFFFFFFFF;
	(pc) =	sbr.abs _section_cstart, $3  }
0xc0: {  	[dreg:$0x1] =	wrdreg $0xFFFFFFFF  }
0xc1: {  	_ =	task.clear_ibuf [dreg:s6], $0x2FFFF;
	_ =	strace $0x9FFFFFFF  }
0xc2: {  	(tm) =	ssettm $0x7FFFFFFF  }
0xc3: {  	_ =	shalt  }
tec
execute0_lowered:
.L_overlay_start_1:
0x0: {  	(tag) =	ssettag $0x1  }
0x1: {  	s1 =	rddreg [dreg:$0x0];
	s3 =	srdreg.scid  }
0x2: {  	s0 =	stileid.u32;
	s2 =	rddreg [dreg:$0x1]  }
0x3: {  	s22 =	simm.s32 $0x2900;
	s23 =	simm.s32 $0x2;
	s6 =	smul.u32 $0x4E20, s0  }
0x4: {  	s28 =	simm.s32 $0x1;
	s29 =	simm.s32 $0x0;
	s8 =	smul.u32 $0x50000, s0  }
0x5: {  	s5 =	sand.u32 $0x1, s3;
	s3 =	simm.s32 $0x0;
	s15 =	smul.u32 $0x14000, s0  }
0x6: {  	s4 =	sadd.s32 $0x16800, s1;
	s7 =	smul.u32 $0x2710, s5;
	[smem:$0x7FF] =	sst s3  }
0x7: {  	s24 =	ssub.s32 $0x2, s5;
	s16 =	smul.u32 $0x140000, s5;
	_ =	strace $0x8000004A  }
0x8: {  	s25 =	sshrl.u32 s24, $0x1;
	s26 =	sshrl.u32 s8, $0x2;
	s12 =	sadd.s32 $0x4000, s15  }
0x9: {  	s17 =	sadd.s32 $0x8000, s15;
	s18 =	sadd.s32 $0xC000, s15;
	s19 =	sadd.s32 $0x10000, s15  }
0xa: {  	s6 =	sadd.s32 s7, s6;
	s5 =	sadd.s32 s26, s2;
	s10 =	sadd.s32 s16, s15  }
0xb: {  	s13 =	sadd.s32 s16, s12;
	s12 =	sadd.s32 s12, s2;
	s14 =	sadd.s32 s17, s2  }
0xc: {  	s17 =	sadd.s32 s16, s17;
	s31 =	sadd.s32 s16, s18;
	s20 =	sadd.s32 s16, s19  }
0xd: {  	s16 =	sadd.s32 s18, s2;
	s18 =	sadd.s32 s19, s2;
	s26 =	simm.s32 $0x100  }
0xe: {  	s6 =	sshrl.u32 s6, $0x3;
	s7 =	sadd.s32 $0x4000, s5;
	s8 =	sadd.s32 $0x8000, s5  }
0xf: {  	s9 =	sadd.s32 $0xC000, s5;
	s11 =	sshrl.u32 s10, $0x3;
	s10 =	sadd.s32 $0x10000, s5  }
0x10: {  	s13 =	sshrl.u32 s13, $0x3;
	s17 =	sshrl.u32 s17, $0x3;
	s20 =	sshrl.u32 s20, $0x3  }
0x11: {  	s21 =	sadd.s32 s6, s1;
	s6 =	ssub.s32 s24, s25;
	s1 =	sadd.s32 $0x3DA00, s1  }
0x12: {  	s24 =	simm.s32 $0x80;
	s25 =	simm.s32 $0x50;
	s30 =	smax.u32 s6, $0x1  }
0x13: {  	s11 =	sadd.s32 s1, s11;
	s13 =	sadd.s32 s1, s13;
	s15 =	sadd.s32 s1, s17  }
0x14: {  	s17 =	sshrl.u32 s31, $0x3;
	s19 =	sadd.s32 s1, s20;
	s20 =	sadd.s32 $0xCA00, s21  }
0x15: {  	v0 =	vimm.f32 $0.0e+00;
	s21 =	sadd.s32 $0x2C00, s21;
	[dreg:$0x3] =	wrdreg s30;
	s17 =	sadd.s32 s1, s17  }
.LBB2_1:
0x16: {  	s1 =	sand.u32 $0xFE00, s3  }
0x17: {  	s31 =	sand.u32 $0x70, s3;
	s1 =	sshrl.u32 s1, $0x2  }
0x18: {  	s30 =	simm.s32 $0x40;
	s1 =	sor.u32 s31, s1;
	s31 =	simm.s32 $0x0  }
.LBB2_2:
0x19: {  	p0 =	sne.s32 s30, $0xFFC0  }
0x1a: {  	[tilespmem:s1+$0x2900] =	vst v0;
	s31 =	sadd.s32 $0x10, s31;
	s1 =	smov.u32 s30;
	s30 =	sadd.s32 $0x40, s30  }
.Ltmp0:
0x1b: {  	(pc) =	sbr.rel @p0 .LBB2_2-.Ltmp0, $4  }
0x1c: {  	_ = 	snop  }
0x1d: {  	s1 =	sand.u32 $0xFE00, s1  }
0x1e: {  	s0 =	sand.u32 $0x70, s31;
	s1 =	sshrl.u32 s1, $0x2  }
0x1f: {  	s1 =	sor.u32 s0, s1  }
0x20: {  	[tilespmem:s1+$0x2900] =	vst v0  }
0x21: {  	[spmem:s5] =	stream.linear.scatter [tilespmem:s22], [sflag:$0x2], $0x4000, $0x38;
	[tilespmem:$0x1A900] =	vst v63  }
0x22: {  	_ =	swait.ge [sflag:s23], $0x4000  }
0x23: {  	[sflag:s23] =	ssyncset.done $0x0  }
0x24: {  	[sflag:s23] =	ssyncadd.s32 $0xFFFFC000  }
0x25: {  	[spmem:s7] =	stream.linear.scatter [tilespmem:s22], [sflag:$0x2], $0x4000, $0x38;
	[tilespmem:$0x1A900] =	vst v63  }
0x26: {  	_ =	swait.ge [sflag:s23], $0x4000  }
0x27: {  	[sflag:s23] =	ssyncset.done $0x0  }
0x28: {  	[sflag:s23] =	ssyncadd.s32 $0xFFFFC000  }
0x29: {  	[spmem:s8] =	stream.linear.scatter [tilespmem:s22], [sflag:$0x2], $0x4000, $0x38;
	[tilespmem:$0x1A900] =	vst v63  }
0x2a: {  	_ =	swait.ge [sflag:s23], $0x4000  }
0x2b: {  	[sflag:s23] =	ssyncset.done $0x0  }
0x2c: {  	[sflag:s23] =	ssyncadd.s32 $0xFFFFC000  }
0x2d: {  	[spmem:s9] =	stream.linear.scatter [tilespmem:s22], [sflag:$0x2], $0x4000, $0x38;
	[tilespmem:$0x1A900] =	vst v63  }
0x2e: {  	_ =	swait.ge [sflag:s23], $0x4000  }
0x2f: {  	[sflag:s23] =	ssyncset.done $0x0  }
0x30: {  	[sflag:s23] =	ssyncadd.s32 $0xFFFFC000  }
0x31: {  	[spmem:s10] =	stream.linear.scatter [tilespmem:s22], [sflag:$0x2], $0x4000, $0x38;
	[tilespmem:$0x1A900] =	vst v63  }
0x32: {  	_ =	swait.ge [sflag:s23], $0x4000  }
0x33: {  	[sflag:s23] =	ssyncset.done $0x0  }
0x34: {  	[sflag:s23] =	ssyncadd.s32 $0xFFFFC000  }
0x35: {  	s0 =	sadd.s32 $0x0, s21;
	[bflag:$0x0] =	sbarrier.arrive $0xFFFF  }
0x36: {  	[tilespmem:s3], [sflag:$0x2] =	stream.linear.gather [hbm4b:s0+s3], $0x50, $0x38;
	[tilespmem:$0x1A900] =	vst v63  }
0x37: {  	_ =	swait.ge [sflag:s23], $0x50  }
0x38: {  	[sflag:s23] =	ssyncset.done $0x0  }
0x39: {  	s6 =	sadd.s32 $0x0, s20;
	[sflag:s23] =	ssyncadd.s32 $0xFFFFFFB0  }
0x3a: {  	[tilespmem:s24], [sflag:$0x2] =	stream.linear.gather [hbm4b:s6+s3], $0x50, $0x38;
	[tilespmem:$0x1A900] =	vst v63  }
0x3b: {  	_ =	swait.ge [sflag:s23], $0x50  }
0x3c: {  	[sflag:s23] =	ssyncset.done $0x0  }
0x3d: {  	[sflag:s23] =	ssyncadd.s32 $0xFFFFFFB0  }
0x3e: {  	[tilespmem:s26], [sflag:$0x1] =	stream.indirect.gather [hbm4b:s4+s25], $0x80, s3, s25, $0xb8;
	[tilespmem:$0x1A900] =	vst v63  }
0x3f: {  	_ =	swait.ge [sflag:s28], $0x2800  }
0x40: {  	[sflag:s28] =	ssyncset.done $0x0  }
0x41: {  	[sflag:s28] =	ssyncadd.s32 $0xFFFFD800  }
0x42: {  	[spmem:s2] =	stream.indirect.scatter.add.f32 [tilespmem:s26], [sflag:$0x2], $0x80, s24, s25, $0xb8;
	[tilespmem:$0x1A900] =	vst v63  }
0x43: {  	_ =	swait.ge [sflag:s23], $0x2800  }
0x44: {  	s30 =	simm.s32 $0xA;
	s31 =	simm.s32 $0x14;
	[sflag:s23] =	ssyncset.done $0x0  }
.LBB2_4:
0x45: {  	s0 =	sadd.s32 s30, s21  }
0x46: {  	[sflag:s23] =	ssyncadd.s32 $0xFFFFD800;
	s1 =	smov.u32 s31;
	s6 =	sadd.s32 $0xA, s31  }
0x47: {  	[tilespmem:s3], [sflag:$0x2] =	stream.linear.gather [hbm4b:s0+s3], $0x50, $0x38;
	[tilespmem:$0x1A900] =	vst v63  }
0x48: {  	p0 =	sne.s32 s31, $0x4D8;
	_ =	swait.ge [sflag:s23], $0x50  }
0x49: {  	[sflag:s23] =	ssyncset.done $0x0  }
0x4a: {  	s0 =	sadd.s32 s30, s20;
	s30 =	smov.u32 s1;
	[sflag:s23] =	ssyncadd.s32 $0xFFFFFFB0  }
0x4b: {  	[tilespmem:s24], [sflag:$0x2] =	stream.linear.gather [hbm4b:s0+s3], $0x50, $0x38;
	[tilespmem:$0x1A900] =	vst v63  }
0x4c: {  	_ =	swait.ge [sflag:s23], $0x50  }
0x4d: {  	[sflag:s23] =	ssyncset.done $0x0  }
0x4e: {  	[sflag:s23] =	ssyncadd.s32 $0xFFFFFFB0  }
0x4f: {  	[tilespmem:s26], [sflag:$0x1] =	stream.indirect.gather [hbm4b:s4+s25], $0x80, s3, s25, $0xb8;
	[tilespmem:$0x1A900] =	vst v63  }
0x50: {  	_ =	swait.ge [sflag:s28], $0x2800  }
.Ltmp1:
0x51: {  	[sflag:s28] =	ssyncset.done $0x0;
	(pc) =	sbr.rel @p0 .LBB2_4-.Ltmp1, $4  }
0x52: {  	[sflag:s28] =	ssyncadd.s32 $0xFFFFD800  }
0x53: {  	[spmem:s2] =	stream.indirect.scatter.add.f32 [tilespmem:s26], [sflag:$0x2], $0x80, s24, s25, $0xb8;
	[tilespmem:$0x1A900] =	vst v63  }
0x54: {  	_ =	swait.ge [sflag:s23], $0x2800  }
0x55: {  	s31 =	smov.u32 s6;
	[sflag:s23] =	ssyncset.done $0x0  }
0x56: {  	s0 =	sadd.s32 s30, s21;
	[sflag:s23] =	ssyncadd.s32 $0xFFFFD800  }
0x57: {  	[tilespmem:s3], [sflag:$0x2] =	stream.linear.gather [hbm4b:s0+s3], $0x50, $0x38;
	[tilespmem:$0x1A900] =	vst v63  }
0x58: {  	_ =	swait.ge [sflag:s23], $0x50  }
0x59: {  	[sflag:s23] =	ssyncset.done $0x0  }
0x5a: {  	s30 =	sadd.s32 s30, s20;
	[sflag:s23] =	ssyncadd.s32 $0xFFFFFFB0  }
0x5b: {  	[tilespmem:s24], [sflag:$0x2] =	stream.linear.gather [hbm4b:s30+s3], $0x50, $0x38;
	[tilespmem:$0x1A900] =	vst v63  }
0x5c: {  	_ =	swait.ge [sflag:s23], $0x50  }
0x5d: {  	[sflag:s23] =	ssyncset.done $0x0  }
0x5e: {  	[sflag:s23] =	ssyncadd.s32 $0xFFFFFFB0  }
0x5f: {  	[tilespmem:s26], [sflag:$0x1] =	stream.indirect.gather [hbm4b:s4+s25], $0x80, s3, s25, $0xb8;
	[tilespmem:$0x1A900] =	vst v63  }
0x60: {  	_ =	swait.ge [sflag:s28], $0x2800  }
0x61: {  	[sflag:s28] =	ssyncset.done $0x0  }
0x62: {  	[sflag:s28] =	ssyncadd.s32 $0xFFFFD800  }
0x63: {  	[spmem:s2] =	stream.indirect.scatter.add.f32 [tilespmem:s26], [sflag:$0x2], $0x80, s24, s25, $0xb8;
	[tilespmem:$0x1A900] =	vst v63  }
0x64: {  	_ =	swait.ge [sflag:s23], $0x2800  }
0x65: {  	[sflag:s23] =	ssyncset.done $0x0  }
0x66: {  	[sflag:s23] =	ssyncadd.s32 $0xFFFFD800  }
0x67: {  	[bflag:$0x0] =	sbarrier.arrive $0xFFFF  }
0x68: {  	[tilespmem:s22], [sflag:$0x2] =	stream.linear.gather [spmem:s5], $0x4000, $0x38;
	[tilespmem:$0x1A900] =	vst v63  }
0x69: {  	_ =	swait.ge [sflag:s23], $0x4000  }
0x6a: {  	[sflag:s23] =	ssyncset.done $0x0  }
0x6b: {  	[sflag:s23] =	ssyncadd.s32 $0xFFFFC000  }
0x6c: {  	[hbm4b:s11+s3] =	stream.linear.scatter [tilespmem:s22], [sflag:$0x2], $0x4000, $0x38;
	[tilespmem:$0x1A900] =	vst v63  }
0x6d: {  	_ =	swait.ge [sflag:s23], $0x4000  }
0x6e: {  	[sflag:s23] =	ssyncset.done $0x0  }
0x6f: {  	[sflag:s23] =	ssyncadd.s32 $0xFFFFC000  }
0x70: {  	[tilespmem:s22], [sflag:$0x2] =	stream.linear.gather [spmem:s12], $0x4000, $0x38;
	[tilespmem:$0x1A900] =	vst v63  }
0x71: {  	_ =	swait.ge [sflag:s23], $0x4000  }
0x72: {  	[sflag:s23] =	ssyncset.done $0x0  }
0x73: {  	[sflag:s23] =	ssyncadd.s32 $0xFFFFC000  }
0x74: {  	[hbm4b:s13+s3] =	stream.linear.scatter [tilespmem:s22], [sflag:$0x2], $0x4000, $0x38;
	[tilespmem:$0x1A900] =	vst v63  }
0x75: {  	_ =	swait.ge [sflag:s23], $0x4000  }
0x76: {  	[sflag:s23] =	ssyncset.done $0x0  }
0x77: {  	[sflag:s23] =	ssyncadd.s32 $0xFFFFC000  }
0x78: {  	[tilespmem:s22], [sflag:$0x2] =	stream.linear.gather [spmem:s14], $0x4000, $0x38;
	[tilespmem:$0x1A900] =	vst v63  }
0x79: {  	_ =	swait.ge [sflag:s23], $0x4000  }
0x7a: {  	[sflag:s23] =	ssyncset.done $0x0  }
0x7b: {  	[sflag:s23] =	ssyncadd.s32 $0xFFFFC000  }
0x7c: {  	[hbm4b:s15+s3] =	stream.linear.scatter [tilespmem:s22], [sflag:$0x2], $0x4000, $0x38;
	[tilespmem:$0x1A900] =	vst v63  }
0x7d: {  	_ =	swait.ge [sflag:s23], $0x4000  }
0x7e: {  	[sflag:s23] =	ssyncset.done $0x0  }
0x7f: {  	[sflag:s23] =	ssyncadd.s32 $0xFFFFC000  }
0x80: {  	[tilespmem:s22], [sflag:$0x2] =	stream.linear.gather [spmem:s16], $0x4000, $0x38;
	[tilespmem:$0x1A900] =	vst v63  }
0x81: {  	_ =	swait.ge [sflag:s23], $0x4000  }
0x82: {  	[sflag:s23] =	ssyncset.done $0x0  }
0x83: {  	[sflag:s23] =	ssyncadd.s32 $0xFFFFC000  }
0x84: {  	[hbm4b:s17+s3] =	stream.linear.scatter [tilespmem:s22], [sflag:$0x2], $0x4000, $0x38;
	[tilespmem:$0x1A900] =	vst v63  }
0x85: {  	_ =	swait.ge [sflag:s23], $0x4000  }
0x86: {  	[sflag:s23] =	ssyncset.done $0x0  }
0x87: {  	[sflag:s23] =	ssyncadd.s32 $0xFFFFC000  }
0x88: {  	[tilespmem:s22], [sflag:$0x2] =	stream.linear.gather [spmem:s18], $0x4000, $0x38;
	[tilespmem:$0x1A900] =	vst v63  }
0x89: {  	_ =	swait.ge [sflag:s23], $0x4000  }
0x8a: {  	[sflag:s23] =	ssyncset.done $0x0  }
0x8b: {  	[sflag:s23] =	ssyncadd.s32 $0xFFFFC000  }
0x8c: {  	[hbm4b:s19+s3] =	stream.linear.scatter [tilespmem:s22], [sflag:$0x2], $0x4000, $0x38;
	[tilespmem:$0x1A900] =	vst v63  }
0x8d: {  	_ =	swait.ge [sflag:s23], $0x4000  }
0x8e: {  	s29 =	sadd.s32 $0x1, s29;
	s31 =	rddreg [dreg:$0x3]  }
0x8f: {  	p0 =	sne.s32 s29, s31  }
.Ltmp2:
0x90: {  	_ = 	snop;
	(pc) =	sbr.rel @p0 .LBB2_1-.Ltmp2, $3  }
0x91: {  	_ =	sdelay $0x1  }
0x92: {  	[sflag:s23] =	ssyncset.done $0x0  }
0x93: {  	[sflag:s23] =	ssyncadd.s32 $0xFFFFC000  }
0x94: {  	_ =	sfence.sel $0x180000  }
0x95: {  	[bflag:$0x0] =	sbarrier.arrive $0xFFFF  }
0x96: {  	_ =	strace $0x9000004A  }
0x97: {  	s0 =	stileid.u32;
	[bflag:$0x2] =	sbarrier.arrive $0xFFFF  }
0x98: {  	p0 =	sne.s32 s0, $0x0;
	s0 =	rddreg [dreg:$0x2]  }
0x99: {  	s0 =	sadd.s32 @!p0 $0x100000, s0  }
0x9a: {  	[sflag:s0] =	ssyncadd.tile.s32 @!p0 $0x1;
	_ =	shalt  }
.Lfunc_end2:
_tile_overlayer_lowered:
.L_overlay_start_2:
0x9b: {  	(tag) =	ssettag $0x2  }
0x9c: {  	s0 =	rddreg [dreg:$0x0];
	s2 =	stileid.u32  }
0x9d: {  	s1 =	rddreg [dreg:$0x1];
	p0 =	sne.s32 s2, $0x0  }
0x9e: {  	s3 =	rddreg [dreg:$0x2];
	[bflag:$0x3] =	sbarrier.arrive $0xFFFF;
	s2 =	simm.s32 @!p0 $0x1C02  }
0x9f: {  	[timem:s3], [sflag:s2] =	dma.local @!p0 [hbm:s0], s1  }
0xa0: {  	s0 =	simm.s32 @!p0 $0x2  }
0xa1: {  	_ =	swait.ge @!p0 [sflag:s0], s1  }
0xa2: {  	s1 =	ssub.s32 @!p0 $0x0, s1;
	[sflag:s0] =	ssyncset.done @!p0 $0x0  }
0xa3: {  	[sflag:s0] =	ssyncadd.s32 @!p0 s1  }
0xa4: {  	[bflag:$0x3] =	sbarrier.arrive $0xFFFF  }
0xa5: {  	_ =	shalt  }

// kernel: kernel.17.cloned.1.call-start
scs
__scs_entry_jumppad:
0x0: {  	(pc) =	sbr.rel $0x88, $3  }
0x1: {  	(tag) =	ssettag $0x0;
	lr =	simm.s32 $0x1  }
0x2: {  	[smem:$0x3F95] =	sst lr;
	_ =	strace $0xD0000000  }
0x3: {  	_ = 	snop  }
0x4: {  	_ = 	snop  }
0x5: {  	_ = 	snop  }
0x6: {  	_ = 	snop  }
0x7: {  	_ = 	snop  }
__scs_overlays_trampoline_lowered:
0x8: {  	[smem:$0x3FA4] =	sst s0  }
0x9: {  	[smem:$0x3FA5] =	sst s1  }
0xa: {  	[smem:$0x3FA6] =	sst s2  }
0xb: {  	[smem:$0x3FA7] =	sst s3  }
0xc: {  	[smem:$0x3FA8] =	sst s4  }
0xd: {  	[smem:$0x3FA9] =	sst s5  }
0xe: {  	[smem:$0x3FAA] =	sst s6  }
0xf: {  	[smem:$0x3FAB] =	sst s7  }
0x10: {  	[smem:$0x3FAC] =	sst s8  }
0x11: {  	[smem:$0x3FAD] =	sst s9;
	s0 =	simm.s32 @!p0 $0x0  }
0x12: {  	s1 =	sld [smem:$0x3F93];
	s0 =	simm.s32 @p0 $0x1  }
0x13: {  	[smem:$0x3FAE] =	sst s0;
	s0 =	simm.s32 @!p1 $0x0  }
0x14: {  	s2 =	sld [smem:$0x3F92];
	s0 =	simm.s32 @p1 $0x1  }
0x15: {  	[smem:$0x3FAF] =	sst s0;
	s0 =	simm.s32 @!p2 $0x0  }
0x16: {  	s3 =	sld [smem:$0x3FDB];
	s0 =	simm.s32 @p2 $0x1  }
0x17: {  	s4 =	simm.s32 $0x1BF5;
	[smem:$0x3FB1] =	sst s0  }
0x18: {  	s0 =	sld [smem:$0x3F94];
	_ =	swait.ge [sflag:s4], $0x0  }
0x19: {  	s7 =	sld [smem:$0x3F95]  }
0x1a: {  	s8 =	sadd.s32 $0xFFFFE003, lr  }
0x1b: {  	s9 =	sadd.s32 $0xFFFFFEF7, lr;
	s5 =	simm.s32 $0xFFFFFFFF;
	p2 =	slt.u32 s8, $0xFFFFF086  }
0x1c: {  	p1 =	slt.u32 s9, $0xF7A;
	s5 =	simm.s32 @!p2 $0x0  }
0x1d: {  	s5 =	simm.s32 @p1 $0x1;
	p0 =	seq.s32 s7, s2  }
0x1e: {  	s7 =	smul.u32 @!p0 $0xF7A, s2;
	p2 =	seq.s32 @!p0 s5, $0x0  }
0x1f: {  	s9 =	smul.u32 $0xF7A, s1;
	s8 =	simm.s32 @!p0 $0x1BF5;
	p2 =	por !p2, p0  }
0x20: {  	[sflag:s8] =	ssyncset.s32 @!p0 $0xFFFFF086;
	s6 =	sadd.s32 @!p0 s3, s7;
	s7 =	simm.s32 @!p0 $0x108  }
0x21: {  	s3 =	sadd.s32 s3, s9;
	s6 =	sadd.s32 @!p0 $0x88, s6;
	s7 =	simm.s32 @p2 $0x1082  }
0x22: {  	[simem:s7], [sflag:s8] =	dma.local @!p0 [hbm:s6], $0xF7A  }
0x23: {  	s9 =	sor.u32 $0xD0000000, s2;
	s6 =	simm.s32 $0x108;
	_ =	swait.ge @!p0 [sflag:s8], $0x0  }
0x24: {  	s3 =	sadd.s32 $0x88, s3;
	s6 =	simm.s32 @!p1 $0x1082;
	[sflag:s4] =	ssyncset.s32 $0xFFFFF086  }
0x25: {  	[simem:s6], [sflag:s4] =	dma.local [hbm:s3], $0xF7A  }
0x26: {  	[smem:$0x3F95] =	sst s1;
	(tag) =	ssettag s2;
	_ =	strace s9  }
0x27: {  	s1 =	sld [smem:$0x3FA5]  }
0x28: {  	s2 =	sld [smem:$0x3FA6]  }
0x29: {  	s4 =	sld [smem:$0x3FA8]  }
0x2a: {  	p0 =	seq.s32 s5, $0x0;
	s5 =	sld [smem:$0x3FA9]  }
0x2b: {  	s6 =	sld [smem:$0x3FAA]  }
0x2c: {  	s7 =	sld [smem:$0x3FAB]  }
0x2d: {  	s3 =	simm.s32 $0x108;
	s8 =	sld [smem:$0x3FAC]  }
0x2e: {  	s3 =	simm.s32 @!p0 $0x1082;
	s9 =	sld [smem:$0x3FAD]  }
0x2f: {  	lr =	sadd.s32 s0, s3;
	s0 =	sld [smem:$0x3FA4]  }
0x30: {  	s3 =	sld [smem:$0x3FA7]  }
0x31: {  	[smem:$0x3FB0] =	sst s10  }
0x32: {  	s10 =	sld [smem:$0x3FAE];
	_ =	sdelay $0x3  }
0x33: {  	p0 =	seq.s32 s10, $0x1;
	s10 =	sld [smem:$0x3FB0];
	_ =	sdelay $0x3  }
0x34: {  	[smem:$0x3FB0] =	sst s10  }
0x35: {  	s10 =	sld [smem:$0x3FAF];
	_ =	sdelay $0x3  }
0x36: {  	p1 =	seq.s32 s10, $0x1;
	s10 =	sld [smem:$0x3FB0];
	_ =	sdelay $0x3  }
0x37: {  	[smem:$0x3FB0] =	sst s10  }
0x38: {  	s10 =	sld [smem:$0x3FB1]  }
0x39: {  	_ = 	snop;
	(pc) =	sbr.ind lr, $3  }
0x3a: {  	_ = 	snop  }
0x3b: {  	_ = 	snop  }
0x3c: {  	p2 =	seq.s32 s10, $0x1;
	s10 =	sld [smem:$0x3FB0]  }
0x3d: {  	_ =	shalt  }
0x3e: {  	_ =	shalt  }
0x3f: {  	_ =	shalt  }
0x40: {  	_ =	shalt  }
0x41: {  	_ =	shalt  }
0x42: {  	_ =	shalt  }
0x43: {  	_ =	shalt  }
0x44: {  	_ =	shalt  }
0x45: {  	_ =	shalt  }
0x46: {  	_ =	shalt  }
0x47: {  	_ =	shalt  }
0x48: {  	_ =	shalt  }
0x49: {  	_ =	shalt  }
0x4a: {  	_ =	shalt  }
0x4b: {  	_ =	shalt  }
0x4c: {  	_ =	shalt  }
0x4d: {  	_ =	shalt  }
0x4e: {  	_ =	shalt  }
0x4f: {  	_ =	shalt  }
0x50: {  	_ =	shalt  }
0x51: {  	_ =	shalt  }
0x52: {  	_ =	shalt  }
0x53: {  	_ =	shalt  }
0x54: {  	_ =	shalt  }
0x55: {  	_ =	shalt  }
0x56: {  	_ =	shalt  }
0x57: {  	_ =	shalt  }
0x58: {  	_ =	shalt  }
0x59: {  	_ =	shalt  }
0x5a: {  	_ =	shalt  }
0x5b: {  	_ =	shalt  }
0x5c: {  	_ =	shalt  }
0x5d: {  	_ =	shalt  }
0x5e: {  	_ =	shalt  }
0x5f: {  	_ =	shalt  }
0x60: {  	_ =	shalt  }
0x61: {  	_ =	shalt  }
0x62: {  	_ =	shalt  }
0x63: {  	_ =	shalt  }
0x64: {  	_ =	shalt  }
0x65: {  	_ =	shalt  }
0x66: {  	_ =	shalt  }
0x67: {  	_ =	shalt  }
0x68: {  	_ =	shalt  }
0x69: {  	_ =	shalt  }
0x6a: {  	_ =	shalt  }
0x6b: {  	_ =	shalt  }
0x6c: {  	_ =	shalt  }
0x6d: {  	_ =	shalt  }
0x6e: {  	_ =	shalt  }
0x6f: {  	_ =	shalt  }
0x70: {  	_ =	shalt  }
0x71: {  	_ =	shalt  }
0x72: {  	_ =	shalt  }
0x73: {  	_ =	shalt  }
0x74: {  	_ =	shalt  }
0x75: {  	_ =	shalt  }
0x76: {  	_ =	shalt  }
0x77: {  	_ =	shalt  }
0x78: {  	_ =	shalt  }
0x79: {  	_ =	shalt  }
0x7a: {  	_ =	shalt  }
0x7b: {  	_ =	shalt  }
0x7c: {  	_ =	shalt  }
0x7d: {  	_ =	shalt  }
0x7e: {  	_ =	shalt  }
0x7f: {  	_ =	shalt  }
0x80: {  	_ =	shalt  }
0x81: {  	_ =	shalt  }
0x82: {  	_ =	shalt  }
0x83: {  	_ =	shalt  }
0x84: {  	_ =	shalt  }
0x85: {  	_ =	shalt  }
0x86: {  	_ =	shalt  }
0x87: {  	_ =	shalt  }
.Lfunc_end0:
.L_simem_size_0:
called_computation.2_lowered:
.L_overlay_start_0:
0x88: {  	s2 =	sld [smem:$0x3FD9]  }
0x89: {  	s3 =	sld [smem:$0x3FFE];
	_ =	sdelay $0x1  }
0x8a: {  	s1 =	srdreg.scid  }
0x8b: {  	s0 =	sand.u32 $0x1, s1  }
0x8c: {  	s16 =	sshll.u32 s0, $0xA;
	s2 =	sadd.s32 s3, s2  }
0x8d: {  	s2 =	sadd.s32 s2, s16  }
0x8e: {  	[smem:$0x3FBC] =	sst s2  }
0x8f: {  	_ = 	snop  }
0x90: {  	(tm) =	ssettm $0x1  }
0x91: {  	s17 =	sld [smem:$0x3FFB];
	_ =	sdelay $0x3  }
0x92: {  	_ =	strace s17  }
0x93: {  	s2 =	sld [smem:$0x3FFC];
	_ =	sdelay $0x3  }
0x94: {  	_ =	strace s2  }
0x95: {  	s2 =	sld [smem:$0x3FFD];
	_ =	sdelay $0x3  }
0x96: {  	_ =	strace s2  }
0x97: {  	_ =	strace $0x8FFFFFFF  }
0x98: {  	s18 =	sld [smem:$0x3FDB];
	_ =	sdelay $0x1  }
0x99: {  	s19 =	simm.s32 $_scs_section_size  }
0x9a: {  	s4 =	simm.s32 $_size__tile_overlayer_lowered;
	s5 =	simm.s32 $_tile_overlayer_lowered  }
0x9b: {  	s22 =	simm.s32 $0x1BFF;
	s21 =	sshll.u32 s5, $0x1;
	s2 =	sadd.s32 s19, s18  }
0x9c: {  	s6 =	simm.s32 $0x0;
	s20 =	sshll.u32 s4, $0x1;
	s4 =	sadd.s32 s21, s2  }
0x9d: {  	[timem:s6], [sflag:s22] =	dma.local [hbm:s4], s20  }
0x9e: {  	_ =	swait.ge [sflag:s22], s20  }
0x9f: {  	s3 =	ssub.s32 $0x0, s20;
	[sflag:s22] =	ssyncset.done $0x0  }
0xa0: {  	[sflag:s22] =	ssyncadd.s32 s3;
	_ =	sdelay $0x1  }
0xa1: {  	s23 =	simm.s32 $0x1B8B  }
0xa2: {  	_ =	swait.ge [sflag:s23], $0x1  }
0xa3: {  	[sflag:s23] =	ssyncset.done $0x0  }
0xa4: {  	s25 =	simm.s32 $0x1B8E;
	s24 =	sld [smem:$0x3FFE];
	[sflag:s23] =	ssyncadd.s32 $0xFFFFFFFF  }
0xa5: {  	s26 =	simm.s32 $execute0_lowered;
	[smem:$0x3FD2] =	sst s25  }
0xa6: {  	s4 =	sshll.u32 s26, $0x1;
	_ =	strace $0x8000004C;
	[dreg:$0x1] =	wrdreg $0xFFFFFFFF  }
0xa7: {  	s28 =	simm.s32 $_size_execute0_lowered;
	s2 =	sadd.s32 s2, s4;
	[dreg:$0x0] =	wrdreg $0x0  }
0xa8: {  	s4 =	sshll.u32 s28, $0x1;
	[dreg:$0x2] =	wrdreg s2  }
0xa9: {  	[dreg:$0x3] =	wrdreg s4  }
0xaa: {  	[dreg:$0x4] =	wrdreg $0xC0  }
0xab: {  	_ =	task [dreg:s6], $0x5FFFF  }
0xac: {  	[dreg:$0x1] =	wrdreg $0xFFFFFFFF  }
0xad: {  	[dreg:$0x0] =	wrdreg $0x60  }
0xae: {  	[dreg:$0x2] =	wrdreg s24  }
0xaf: {  	[dreg:$0x3] =	wrdreg $0x69000  }
0xb0: {  	[dreg:$0x4] =	wrdreg $0x9  }
0xb1: {  	_ =	task.clear_ibuf [dreg:s6], $0x5FFFF;
	_ =	strace $0x9000004C  }
0xb2: {  	s29 =	simm.s32 $0x9;
	_ =	strace $0x8000004E  }
0xb3: {  	_ =	swait.ge [sflag:s29], $0x1  }
0xb4: {  	[sflag:s29] =	ssyncadd.s32 $0xFFFFFFFF  }
0xb5: {  	_ =	strace $0x9000004E  }
0xb6: {  	_ =	sfence  }
0xb7: {  	s30 =	sld [smem:$0x0];
	_ =	sdelay $0x2  }
0xb8: {  	s31 =	sshll.u32 s1, $0xD;
	s1 =	sshrl.u32 s1, $0x2  }
0xb9: {  	s3 =	sand.u32 $0x4000, s31;
	s1 =	sadd.s32 s1, s30  }
0xba: {  	s0 =	sor.u32 s3, s0;
	s1 =	sshll.u32 s1, $0x11  }
0xbb: {  	s0 =	sor.u32 s1, s0  }
0xbc: {  	s0 =	sadd.s32 $0x8F2B, s0  }
0xbd: {  	[sflag:s0] =	ssyncadd.remote.s32 $0x1  }
0xbe: {  	_ =	sfence.sel $0xFFFF  }
0xbf: {  	[dreg:$0x0] =	wrdreg $0xFFFFFFFF;
	(pc) =	sbr.abs _section_cstart, $3  }
0xc0: {  	[dreg:$0x1] =	wrdreg $0xFFFFFFFF  }
0xc1: {  	_ =	task.clear_ibuf [dreg:s6], $0x2FFFF;
	_ =	strace $0x9FFFFFFF  }
0xc2: {  	(tm) =	ssettm $0x7FFFFFFF  }
0xc3: {  	_ =	shalt  }
tec
execute0_lowered:
.L_overlay_start_1:
0x0: {  	(tag) =	ssettag $0x1  }
0x1: {  	s1 =	rddreg [dreg:$0x0];
	s3 =	srdreg.scid  }
0x2: {  	s0 =	stileid.u32;
	s2 =	rddreg [dreg:$0x1]  }
0x3: {  	s22 =	simm.s32 $0x2900;
	s23 =	simm.s32 $0x2;
	s6 =	smul.u32 $0x4E20, s0  }
0x4: {  	s28 =	simm.s32 $0x1;
	s29 =	simm.s32 $0x0;
	s8 =	smul.u32 $0x50000, s0  }
0x5: {  	s5 =	sand.u32 $0x1, s3;
	s3 =	simm.s32 $0x0;
	s15 =	smul.u32 $0x14000, s0  }
0x6: {  	s4 =	sadd.s32 $0x16800, s1;
	s7 =	smul.u32 $0x2710, s5;
	[smem:$0x7FF] =	sst s3  }
0x7: {  	s24 =	ssub.s32 $0x2, s5;
	s16 =	smul.u32 $0x140000, s5;
	_ =	strace $0x8000004D  }
0x8: {  	s25 =	sshrl.u32 s24, $0x1;
	s26 =	sshrl.u32 s8, $0x2;
	s12 =	sadd.s32 $0x4000, s15  }
0x9: {  	s17 =	sadd.s32 $0x8000, s15;
	s18 =	sadd.s32 $0xC000, s15;
	s19 =	sadd.s32 $0x10000, s15  }
0xa: {  	s6 =	sadd.s32 s7, s6;
	s5 =	sadd.s32 s26, s2;
	s10 =	sadd.s32 s16, s15  }
0xb: {  	s13 =	sadd.s32 s16, s12;
	s12 =	sadd.s32 s12, s2;
	s14 =	sadd.s32 s17, s2  }
0xc: {  	s17 =	sadd.s32 s16, s17;
	s31 =	sadd.s32 s16, s18;
	s20 =	sadd.s32 s16, s19  }
0xd: {  	s16 =	sadd.s32 s18, s2;
	s18 =	sadd.s32 s19, s2;
	s26 =	simm.s32 $0x100  }
0xe: {  	s6 =	sshrl.u32 s6, $0x3;
	s7 =	sadd.s32 $0x4000, s5;
	s8 =	sadd.s32 $0x8000, s5  }
0xf: {  	s9 =	sadd.s32 $0xC000, s5;
	s11 =	sshrl.u32 s10, $0x3;
	s10 =	sadd.s32 $0x10000, s5  }
0x10: {  	s13 =	sshrl.u32 s13, $0x3;
	s17 =	sshrl.u32 s17, $0x3;
	s20 =	sshrl.u32 s20, $0x3  }
0x11: {  	s21 =	sadd.s32 s6, s1;
	s6 =	ssub.s32 s24, s25;
	s1 =	sadd.s32 $0x3DA00, s1  }
0x12: {  	s24 =	simm.s32 $0x80;
	s25 =	simm.s32 $0x50;
	s30 =	smax.u32 s6, $0x1  }
0x13: {  	s11 =	sadd.s32 s1, s11;
	s13 =	sadd.s32 s1, s13;
	s15 =	sadd.s32 s1, s17  }
0x14: {  	s17 =	sshrl.u32 s31, $0x3;
	s19 =	sadd.s32 s1, s20;
	s20 =	sadd.s32 $0xCA00, s21  }
0x15: {  	v0 =	vimm.f32 $0.0e+00;
	s21 =	sadd.s32 $0x2C00, s21;
	[dreg:$0x3] =	wrdreg s30;
	s17 =	sadd.s32 s1, s17  }
.LBB2_1:
0x16: {  	s1 =	sand.u32 $0xFE00, s3  }
0x17: {  	s31 =	sand.u32 $0x70, s3;
	s1 =	sshrl.u32 s1, $0x2  }
0x18: {  	s30 =	simm.s32 $0x40;
	s1 =	sor.u32 s31, s1;
	s31 =	simm.s32 $0x0  }
.LBB2_2:
0x19: {  	p0 =	sne.s32 s30, $0xFFC0  }
0x1a: {  	[tilespmem:s1+$0x2900] =	vst v0;
	s31 =	sadd.s32 $0x10, s31;
	s1 =	smov.u32 s30;
	s30 =	sadd.s32 $0x40, s30  }
.Ltmp0:
0x1b: {  	(pc) =	sbr.rel @p0 .LBB2_2-.Ltmp0, $4  }
0x1c: {  	_ = 	snop  }
0x1d: {  	s1 =	sand.u32 $0xFE00, s1  }
0x1e: {  	s0 =	sand.u32 $0x70, s31;
	s1 =	sshrl.u32 s1, $0x2  }
0x1f: {  	s1 =	sor.u32 s0, s1  }
0x20: {  	[tilespmem:s1+$0x2900] =	vst v0  }
0x21: {  	[spmem:s5] =	stream.linear.scatter [tilespmem:s22], [sflag:$0x2], $0x4000, $0x38;
	[tilespmem:$0x1A900] =	vst v63  }
0x22: {  	_ =	swait.ge [sflag:s23], $0x4000  }
0x23: {  	[sflag:s23] =	ssyncset.done $0x0  }
0x24: {  	[sflag:s23] =	ssyncadd.s32 $0xFFFFC000  }
0x25: {  	[spmem:s7] =	stream.linear.scatter [tilespmem:s22], [sflag:$0x2], $0x4000, $0x38;
	[tilespmem:$0x1A900] =	vst v63  }
0x26: {  	_ =	swait.ge [sflag:s23], $0x4000  }
0x27: {  	[sflag:s23] =	ssyncset.done $0x0  }
0x28: {  	[sflag:s23] =	ssyncadd.s32 $0xFFFFC000  }
0x29: {  	[spmem:s8] =	stream.linear.scatter [tilespmem:s22], [sflag:$0x2], $0x4000, $0x38;
	[tilespmem:$0x1A900] =	vst v63  }
0x2a: {  	_ =	swait.ge [sflag:s23], $0x4000  }
0x2b: {  	[sflag:s23] =	ssyncset.done $0x0  }
0x2c: {  	[sflag:s23] =	ssyncadd.s32 $0xFFFFC000  }
0x2d: {  	[spmem:s9] =	stream.linear.scatter [tilespmem:s22], [sflag:$0x2], $0x4000, $0x38;
	[tilespmem:$0x1A900] =	vst v63  }
0x2e: {  	_ =	swait.ge [sflag:s23], $0x4000  }
0x2f: {  	[sflag:s23] =	ssyncset.done $0x0  }
0x30: {  	[sflag:s23] =	ssyncadd.s32 $0xFFFFC000  }
0x31: {  	[spmem:s10] =	stream.linear.scatter [tilespmem:s22], [sflag:$0x2], $0x4000, $0x38;
	[tilespmem:$0x1A900] =	vst v63  }
0x32: {  	_ =	swait.ge [sflag:s23], $0x4000  }
0x33: {  	[sflag:s23] =	ssyncset.done $0x0  }
0x34: {  	[sflag:s23] =	ssyncadd.s32 $0xFFFFC000  }
0x35: {  	s0 =	sadd.s32 $0x0, s21;
	[bflag:$0x0] =	sbarrier.arrive $0xFFFF  }
0x36: {  	[tilespmem:s3], [sflag:$0x2] =	stream.linear.gather [hbm4b:s0+s3], $0x50, $0x38;
	[tilespmem:$0x1A900] =	vst v63  }
0x37: {  	_ =	swait.ge [sflag:s23], $0x50  }
0x38: {  	[sflag:s23] =	ssyncset.done $0x0  }
0x39: {  	s6 =	sadd.s32 $0x0, s20;
	[sflag:s23] =	ssyncadd.s32 $0xFFFFFFB0  }
0x3a: {  	[tilespmem:s24], [sflag:$0x2] =	stream.linear.gather [hbm4b:s6+s3], $0x50, $0x38;
	[tilespmem:$0x1A900] =	vst v63  }
0x3b: {  	_ =	swait.ge [sflag:s23], $0x50  }
0x3c: {  	[sflag:s23] =	ssyncset.done $0x0  }
0x3d: {  	[sflag:s23] =	ssyncadd.s32 $0xFFFFFFB0  }
0x3e: {  	[tilespmem:s26], [sflag:$0x1] =	stream.indirect.gather [hbm4b:s4+s25], $0x80, s3, s25, $0xb8;
	[tilespmem:$0x1A900] =	vst v63  }
0x3f: {  	_ =	swait.ge [sflag:s28], $0x2800  }
0x40: {  	[sflag:s28] =	ssyncset.done $0x0  }
0x41: {  	[sflag:s28] =	ssyncadd.s32 $0xFFFFD800  }
0x42: {  	[spmem:s2] =	stream.indirect.scatter.add.f32 [tilespmem:s26], [sflag:$0x2], $0x80, s24, s25, $0xb8;
	[tilespmem:$0x1A900] =	vst v63  }
0x43: {  	_ =	swait.ge [sflag:s23], $0x2800  }
0x44: {  	s30 =	simm.s32 $0xA;
	s31 =	simm.s32 $0x14;
	[sflag:s23] =	ssyncset.done $0x0  }
.LBB2_4:
0x45: {  	s0 =	sadd.s32 s30, s21  }
0x46: {  	[sflag:s23] =	ssyncadd.s32 $0xFFFFD800;
	s1 =	smov.u32 s31;
	s6 =	sadd.s32 $0xA, s31  }
0x47: {  	[tilespmem:s3], [sflag:$0x2] =	stream.linear.gather [hbm4b:s0+s3], $0x50, $0x38;
	[tilespmem:$0x1A900] =	vst v63  }
0x48: {  	p0 =	sne.s32 s31, $0x4D8;
	_ =	swait.ge [sflag:s23], $0x50  }
0x49: {  	[sflag:s23] =	ssyncset.done $0x0  }
0x4a: {  	s0 =	sadd.s32 s30, s20;
	s30 =	smov.u32 s1;
	[sflag:s23] =	ssyncadd.s32 $0xFFFFFFB0  }
0x4b: {  	[tilespmem:s24], [sflag:$0x2] =	stream.linear.gather [hbm4b:s0+s3], $0x50, $0x38;
	[tilespmem:$0x1A900] =	vst v63  }
0x4c: {  	_ =	swait.ge [sflag:s23], $0x50  }
0x4d: {  	[sflag:s23] =	ssyncset.done $0x0  }
0x4e: {  	[sflag:s23] =	ssyncadd.s32 $0xFFFFFFB0  }
0x4f: {  	[tilespmem:s26], [sflag:$0x1] =	stream.indirect.gather [hbm4b:s4+s25], $0x80, s3, s25, $0xb8;
	[tilespmem:$0x1A900] =	vst v63  }
0x50: {  	_ =	swait.ge [sflag:s28], $0x2800  }
.Ltmp1:
0x51: {  	[sflag:s28] =	ssyncset.done $0x0;
	(pc) =	sbr.rel @p0 .LBB2_4-.Ltmp1, $4  }
0x52: {  	[sflag:s28] =	ssyncadd.s32 $0xFFFFD800  }
0x53: {  	[spmem:s2] =	stream.indirect.scatter.add.f32 [tilespmem:s26], [sflag:$0x2], $0x80, s24, s25, $0xb8;
	[tilespmem:$0x1A900] =	vst v63  }
0x54: {  	_ =	swait.ge [sflag:s23], $0x2800  }
0x55: {  	s31 =	smov.u32 s6;
	[sflag:s23] =	ssyncset.done $0x0  }
0x56: {  	s0 =	sadd.s32 s30, s21;
	[sflag:s23] =	ssyncadd.s32 $0xFFFFD800  }
0x57: {  	[tilespmem:s3], [sflag:$0x2] =	stream.linear.gather [hbm4b:s0+s3], $0x50, $0x38;
	[tilespmem:$0x1A900] =	vst v63  }
0x58: {  	_ =	swait.ge [sflag:s23], $0x50  }
0x59: {  	[sflag:s23] =	ssyncset.done $0x0  }
0x5a: {  	s30 =	sadd.s32 s30, s20;
	[sflag:s23] =	ssyncadd.s32 $0xFFFFFFB0  }
0x5b: {  	[tilespmem:s24], [sflag:$0x2] =	stream.linear.gather [hbm4b:s30+s3], $0x50, $0x38;
	[tilespmem:$0x1A900] =	vst v63  }
0x5c: {  	_ =	swait.ge [sflag:s23], $0x50  }
0x5d: {  	[sflag:s23] =	ssyncset.done $0x0  }
0x5e: {  	[sflag:s23] =	ssyncadd.s32 $0xFFFFFFB0  }
0x5f: {  	[tilespmem:s26], [sflag:$0x1] =	stream.indirect.gather [hbm4b:s4+s25], $0x80, s3, s25, $0xb8;
	[tilespmem:$0x1A900] =	vst v63  }
0x60: {  	_ =	swait.ge [sflag:s28], $0x2800  }
0x61: {  	[sflag:s28] =	ssyncset.done $0x0  }
0x62: {  	[sflag:s28] =	ssyncadd.s32 $0xFFFFD800  }
0x63: {  	[spmem:s2] =	stream.indirect.scatter.add.f32 [tilespmem:s26], [sflag:$0x2], $0x80, s24, s25, $0xb8;
	[tilespmem:$0x1A900] =	vst v63  }
0x64: {  	_ =	swait.ge [sflag:s23], $0x2800  }
0x65: {  	[sflag:s23] =	ssyncset.done $0x0  }
0x66: {  	[sflag:s23] =	ssyncadd.s32 $0xFFFFD800  }
0x67: {  	[bflag:$0x0] =	sbarrier.arrive $0xFFFF  }
0x68: {  	[tilespmem:s22], [sflag:$0x2] =	stream.linear.gather [spmem:s5], $0x4000, $0x38;
	[tilespmem:$0x1A900] =	vst v63  }
0x69: {  	_ =	swait.ge [sflag:s23], $0x4000  }
0x6a: {  	[sflag:s23] =	ssyncset.done $0x0  }
0x6b: {  	[sflag:s23] =	ssyncadd.s32 $0xFFFFC000  }
0x6c: {  	[hbm4b:s11+s3] =	stream.linear.scatter [tilespmem:s22], [sflag:$0x2], $0x4000, $0x38;
	[tilespmem:$0x1A900] =	vst v63  }
0x6d: {  	_ =	swait.ge [sflag:s23], $0x4000  }
0x6e: {  	[sflag:s23] =	ssyncset.done $0x0  }
0x6f: {  	[sflag:s23] =	ssyncadd.s32 $0xFFFFC000  }
0x70: {  	[tilespmem:s22], [sflag:$0x2] =	stream.linear.gather [spmem:s12], $0x4000, $0x38;
	[tilespmem:$0x1A900] =	vst v63  }
0x71: {  	_ =	swait.ge [sflag:s23], $0x4000  }
0x72: {  	[sflag:s23] =	ssyncset.done $0x0  }
0x73: {  	[sflag:s23] =	ssyncadd.s32 $0xFFFFC000  }
0x74: {  	[hbm4b:s13+s3] =	stream.linear.scatter [tilespmem:s22], [sflag:$0x2], $0x4000, $0x38;
	[tilespmem:$0x1A900] =	vst v63  }
0x75: {  	_ =	swait.ge [sflag:s23], $0x4000  }
0x76: {  	[sflag:s23] =	ssyncset.done $0x0  }
0x77: {  	[sflag:s23] =	ssyncadd.s32 $0xFFFFC000  }
0x78: {  	[tilespmem:s22], [sflag:$0x2] =	stream.linear.gather [spmem:s14], $0x4000, $0x38;
	[tilespmem:$0x1A900] =	vst v63  }
0x79: {  	_ =	swait.ge [sflag:s23], $0x4000  }
0x7a: {  	[sflag:s23] =	ssyncset.done $0x0  }
0x7b: {  	[sflag:s23] =	ssyncadd.s32 $0xFFFFC000  }
0x7c: {  	[hbm4b:s15+s3] =	stream.linear.scatter [tilespmem:s22], [sflag:$0x2], $0x4000, $0x38;
	[tilespmem:$0x1A900] =	vst v63  }
0x7d: {  	_ =	swait.ge [sflag:s23], $0x4000  }
0x7e: {  	[sflag:s23] =	ssyncset.done $0x0  }
0x7f: {  	[sflag:s23] =	ssyncadd.s32 $0xFFFFC000  }
0x80: {  	[tilespmem:s22], [sflag:$0x2] =	stream.linear.gather [spmem:s16], $0x4000, $0x38;
	[tilespmem:$0x1A900] =	vst v63  }
0x81: {  	_ =	swait.ge [sflag:s23], $0x4000  }
0x82: {  	[sflag:s23] =	ssyncset.done $0x0  }
0x83: {  	[sflag:s23] =	ssyncadd.s32 $0xFFFFC000  }
0x84: {  	[hbm4b:s17+s3] =	stream.linear.scatter [tilespmem:s22], [sflag:$0x2], $0x4000, $0x38;
	[tilespmem:$0x1A900] =	vst v63  }
0x85: {  	_ =	swait.ge [sflag:s23], $0x4000  }
0x86: {  	[sflag:s23] =	ssyncset.done $0x0  }
0x87: {  	[sflag:s23] =	ssyncadd.s32 $0xFFFFC000  }
0x88: {  	[tilespmem:s22], [sflag:$0x2] =	stream.linear.gather [spmem:s18], $0x4000, $0x38;
	[tilespmem:$0x1A900] =	vst v63  }
0x89: {  	_ =	swait.ge [sflag:s23], $0x4000  }
0x8a: {  	[sflag:s23] =	ssyncset.done $0x0  }
0x8b: {  	[sflag:s23] =	ssyncadd.s32 $0xFFFFC000  }
0x8c: {  	[hbm4b:s19+s3] =	stream.linear.scatter [tilespmem:s22], [sflag:$0x2], $0x4000, $0x38;
	[tilespmem:$0x1A900] =	vst v63  }
0x8d: {  	_ =	swait.ge [sflag:s23], $0x4000  }
0x8e: {  	s29 =	sadd.s32 $0x1, s29;
	s31 =	rddreg [dreg:$0x3]  }
0x8f: {  	p0 =	sne.s32 s29, s31  }
.Ltmp2:
0x90: {  	_ = 	snop;
	(pc) =	sbr.rel @p0 .LBB2_1-.Ltmp2, $3  }
0x91: {  	_ =	sdelay $0x1  }
0x92: {  	[sflag:s23] =	ssyncset.done $0x0  }
0x93: {  	[sflag:s23] =	ssyncadd.s32 $0xFFFFC000  }
0x94: {  	_ =	sfence.sel $0x180000  }
0x95: {  	[bflag:$0x0] =	sbarrier.arrive $0xFFFF  }
0x96: {  	_ =	strace $0x9000004D  }
0x97: {  	s0 =	stileid.u32;
	[bflag:$0x2] =	sbarrier.arrive $0xFFFF  }
0x98: {  	p0 =	sne.s32 s0, $0x0;
	s0 =	rddreg [dreg:$0x2]  }
0x99: {  	s0 =	sadd.s32 @!p0 $0x100000, s0  }
0x9a: {  	[sflag:s0] =	ssyncadd.tile.s32 @!p0 $0x1;
	_ =	shalt  }
.Lfunc_end2:
_tile_overlayer_lowered:
.L_overlay_start_2:
0x9b: {  	(tag) =	ssettag $0x2  }
0x9c: {  	s0 =	rddreg [dreg:$0x0];
	s2 =	stileid.u32  }
0x9d: {  	s1 =	rddreg [dreg:$0x1];
	p0 =	sne.s32 s2, $0x0  }
0x9e: {  	s3 =	rddreg [dreg:$0x2];
	[bflag:$0x3] =	sbarrier.arrive $0xFFFF;
	s2 =	simm.s32 @!p0 $0x1C02  }
0x9f: {  	[timem:s3], [sflag:s2] =	dma.local @!p0 [hbm:s0], s1  }
0xa0: {  	s0 =	simm.s32 @!p0 $0x2  }
0xa1: {  	_ =	swait.ge @!p0 [sflag:s0], s1  }
0xa2: {  	s1 =	ssub.s32 @!p0 $0x0, s1;
	[sflag:s0] =	ssyncset.done @!p0 $0x0  }
0xa3: {  	[sflag:s0] =	ssyncadd.s32 @!p0 s1  }
0xa4: {  	[bflag:$0x3] =	sbarrier.arrive $0xFFFF  }
0xa5: {  	_ =	shalt  }

// kernel: kernel.20.cloned.1.call-start
scs
__scs_entry_jumppad:
0x0: {  	(pc) =	sbr.rel $0x88, $3  }
0x1: {  	(tag) =	ssettag $0x0;
	lr =	simm.s32 $0x1  }
0x2: {  	[smem:$0x3F95] =	sst lr;
	_ =	strace $0xD0000000  }
0x3: {  	_ = 	snop  }
0x4: {  	_ = 	snop  }
0x5: {  	_ = 	snop  }
0x6: {  	_ = 	snop  }
0x7: {  	_ = 	snop  }
__scs_overlays_trampoline_lowered:
0x8: {  	[smem:$0x3FA4] =	sst s0  }
0x9: {  	[smem:$0x3FA5] =	sst s1  }
0xa: {  	[smem:$0x3FA6] =	sst s2  }
0xb: {  	[smem:$0x3FA7] =	sst s3  }
0xc: {  	[smem:$0x3FA8] =	sst s4  }
0xd: {  	[smem:$0x3FA9] =	sst s5  }
0xe: {  	[smem:$0x3FAA] =	sst s6  }
0xf: {  	[smem:$0x3FAB] =	sst s7  }
0x10: {  	[smem:$0x3FAC] =	sst s8  }
0x11: {  	[smem:$0x3FAD] =	sst s9;
	s0 =	simm.s32 @!p0 $0x0  }
0x12: {  	s1 =	sld [smem:$0x3F93];
	s0 =	simm.s32 @p0 $0x1  }
0x13: {  	[smem:$0x3FAE] =	sst s0;
	s0 =	simm.s32 @!p1 $0x0  }
0x14: {  	s2 =	sld [smem:$0x3F92];
	s0 =	simm.s32 @p1 $0x1  }
0x15: {  	[smem:$0x3FAF] =	sst s0;
	s0 =	simm.s32 @!p2 $0x0  }
0x16: {  	s3 =	sld [smem:$0x3FDB];
	s0 =	simm.s32 @p2 $0x1  }
0x17: {  	s4 =	simm.s32 $0x1BF5;
	[smem:$0x3FB1] =	sst s0  }
0x18: {  	s0 =	sld [smem:$0x3F94];
	_ =	swait.ge [sflag:s4], $0x0  }
0x19: {  	s7 =	sld [smem:$0x3F95]  }
0x1a: {  	s8 =	sadd.s32 $0xFFFFE003, lr  }
0x1b: {  	s9 =	sadd.s32 $0xFFFFFEF7, lr;
	s5 =	simm.s32 $0xFFFFFFFF;
	p2 =	slt.u32 s8, $0xFFFFF086  }
0x1c: {  	p1 =	slt.u32 s9, $0xF7A;
	s5 =	simm.s32 @!p2 $0x0  }
0x1d: {  	s5 =	simm.s32 @p1 $0x1;
	p0 =	seq.s32 s7, s2  }
0x1e: {  	s7 =	smul.u32 @!p0 $0xF7A, s2;
	p2 =	seq.s32 @!p0 s5, $0x0  }
0x1f: {  	s9 =	smul.u32 $0xF7A, s1;
	s8 =	simm.s32 @!p0 $0x1BF5;
	p2 =	por !p2, p0  }
0x20: {  	[sflag:s8] =	ssyncset.s32 @!p0 $0xFFFFF086;
	s6 =	sadd.s32 @!p0 s3, s7;
	s7 =	simm.s32 @!p0 $0x108  }
0x21: {  	s3 =	sadd.s32 s3, s9;
	s6 =	sadd.s32 @!p0 $0x88, s6;
	s7 =	simm.s32 @p2 $0x1082  }
0x22: {  	[simem:s7], [sflag:s8] =	dma.local @!p0 [hbm:s6], $0xF7A  }
0x23: {  	s9 =	sor.u32 $0xD0000000, s2;
	s6 =	simm.s32 $0x108;
	_ =	swait.ge @!p0 [sflag:s8], $0x0  }
0x24: {  	s3 =	sadd.s32 $0x88, s3;
	s6 =	simm.s32 @!p1 $0x1082;
	[sflag:s4] =	ssyncset.s32 $0xFFFFF086  }
0x25: {  	[simem:s6], [sflag:s4] =	dma.local [hbm:s3], $0xF7A  }
0x26: {  	[smem:$0x3F95] =	sst s1;
	(tag) =	ssettag s2;
	_ =	strace s9  }
0x27: {  	s1 =	sld [smem:$0x3FA5]  }
0x28: {  	s2 =	sld [smem:$0x3FA6]  }
0x29: {  	s4 =	sld [smem:$0x3FA8]  }
0x2a: {  	p0 =	seq.s32 s5, $0x0;
	s5 =	sld [smem:$0x3FA9]  }
0x2b: {  	s6 =	sld [smem:$0x3FAA]  }
0x2c: {  	s7 =	sld [smem:$0x3FAB]  }
0x2d: {  	s3 =	simm.s32 $0x108;
	s8 =	sld [smem:$0x3FAC]  }
0x2e: {  	s3 =	simm.s32 @!p0 $0x1082;
	s9 =	sld [smem:$0x3FAD]  }
0x2f: {  	lr =	sadd.s32 s0, s3;
	s0 =	sld [smem:$0x3FA4]  }
0x30: {  	s3 =	sld [smem:$0x3FA7]  }
0x31: {  	[smem:$0x3FB0] =	sst s10  }
0x32: {  	s10 =	sld [smem:$0x3FAE];
	_ =	sdelay $0x3  }
0x33: {  	p0 =	seq.s32 s10, $0x1;
	s10 =	sld [smem:$0x3FB0];
	_ =	sdelay $0x3  }
0x34: {  	[smem:$0x3FB0] =	sst s10  }
0x35: {  	s10 =	sld [smem:$0x3FAF];
	_ =	sdelay $0x3  }
0x36: {  	p1 =	seq.s32 s10, $0x1;
	s10 =	sld [smem:$0x3FB0];
	_ =	sdelay $0x3  }
0x37: {  	[smem:$0x3FB0] =	sst s10  }
0x38: {  	s10 =	sld [smem:$0x3FB1]  }
0x39: {  	_ = 	snop;
	(pc) =	sbr.ind lr, $3  }
0x3a: {  	_ = 	snop  }
0x3b: {  	_ = 	snop  }
0x3c: {  	p2 =	seq.s32 s10, $0x1;
	s10 =	sld [smem:$0x3FB0]  }
0x3d: {  	_ =	shalt  }
0x3e: {  	_ =	shalt  }
0x3f: {  	_ =	shalt  }
0x40: {  	_ =	shalt  }
0x41: {  	_ =	shalt  }
0x42: {  	_ =	shalt  }
0x43: {  	_ =	shalt  }
0x44: {  	_ =	shalt  }
0x45: {  	_ =	shalt  }
0x46: {  	_ =	shalt  }
0x47: {  	_ =	shalt  }
0x48: {  	_ =	shalt  }
0x49: {  	_ =	shalt  }
0x4a: {  	_ =	shalt  }
0x4b: {  	_ =	shalt  }
0x4c: {  	_ =	shalt  }
0x4d: {  	_ =	shalt  }
0x4e: {  	_ =	shalt  }
0x4f: {  	_ =	shalt  }
0x50: {  	_ =	shalt  }
0x51: {  	_ =	shalt  }
0x52: {  	_ =	shalt  }
0x53: {  	_ =	shalt  }
0x54: {  	_ =	shalt  }
0x55: {  	_ =	shalt  }
0x56: {  	_ =	shalt  }
0x57: {  	_ =	shalt  }
0x58: {  	_ =	shalt  }
0x59: {  	_ =	shalt  }
0x5a: {  	_ =	shalt  }
0x5b: {  	_ =	shalt  }
0x5c: {  	_ =	shalt  }
0x5d: {  	_ =	shalt  }
0x5e: {  	_ =	shalt  }
0x5f: {  	_ =	shalt  }
0x60: {  	_ =	shalt  }
0x61: {  	_ =	shalt  }
0x62: {  	_ =	shalt  }
0x63: {  	_ =	shalt  }
0x64: {  	_ =	shalt  }
0x65: {  	_ =	shalt  }
0x66: {  	_ =	shalt  }
0x67: {  	_ =	shalt  }
0x68: {  	_ =	shalt  }
0x69: {  	_ =	shalt  }
0x6a: {  	_ =	shalt  }
0x6b: {  	_ =	shalt  }
0x6c: {  	_ =	shalt  }
0x6d: {  	_ =	shalt  }
0x6e: {  	_ =	shalt  }
0x6f: {  	_ =	shalt  }
0x70: {  	_ =	shalt  }
0x71: {  	_ =	shalt  }
0x72: {  	_ =	shalt  }
0x73: {  	_ =	shalt  }
0x74: {  	_ =	shalt  }
0x75: {  	_ =	shalt  }
0x76: {  	_ =	shalt  }
0x77: {  	_ =	shalt  }
0x78: {  	_ =	shalt  }
0x79: {  	_ =	shalt  }
0x7a: {  	_ =	shalt  }
0x7b: {  	_ =	shalt  }
0x7c: {  	_ =	shalt  }
0x7d: {  	_ =	shalt  }
0x7e: {  	_ =	shalt  }
0x7f: {  	_ =	shalt  }
0x80: {  	_ =	shalt  }
0x81: {  	_ =	shalt  }
0x82: {  	_ =	shalt  }
0x83: {  	_ =	shalt  }
0x84: {  	_ =	shalt  }
0x85: {  	_ =	shalt  }
0x86: {  	_ =	shalt  }
0x87: {  	_ =	shalt  }
.Lfunc_end0:
.L_simem_size_0:
called_computation.3_lowered:
.L_overlay_start_0:
0x88: {  	s2 =	sld [smem:$0x3FD9]  }
0x89: {  	s3 =	sld [smem:$0x3FFE];
	_ =	sdelay $0x1  }
0x8a: {  	s1 =	srdreg.scid  }
0x8b: {  	s0 =	sand.u32 $0x1, s1  }
0x8c: {  	s16 =	sshll.u32 s0, $0xA;
	s2 =	sadd.s32 s3, s2  }
0x8d: {  	s2 =	sadd.s32 s2, s16  }
0x8e: {  	[smem:$0x3FBC] =	sst s2  }
0x8f: {  	_ = 	snop  }
0x90: {  	(tm) =	ssettm $0x1  }
0x91: {  	s17 =	sld [smem:$0x3FFB];
	_ =	sdelay $0x3  }
0x92: {  	_ =	strace s17  }
0x93: {  	s2 =	sld [smem:$0x3FFC];
	_ =	sdelay $0x3  }
0x94: {  	_ =	strace s2  }
0x95: {  	s2 =	sld [smem:$0x3FFD];
	_ =	sdelay $0x3  }
0x96: {  	_ =	strace s2  }
0x97: {  	_ =	strace $0x8FFFFFFF  }
0x98: {  	s18 =	sld [smem:$0x3FDB];
	_ =	sdelay $0x1  }
0x99: {  	s19 =	simm.s32 $_scs_section_size  }
0x9a: {  	s4 =	simm.s32 $_size__tile_overlayer_lowered;
	s5 =	simm.s32 $_tile_overlayer_lowered  }
0x9b: {  	s22 =	simm.s32 $0x1BFF;
	s21 =	sshll.u32 s5, $0x1;
	s2 =	sadd.s32 s19, s18  }
0x9c: {  	s6 =	simm.s32 $0x0;
	s20 =	sshll.u32 s4, $0x1;
	s4 =	sadd.s32 s21, s2  }
0x9d: {  	[timem:s6], [sflag:s22] =	dma.local [hbm:s4], s20  }
0x9e: {  	_ =	swait.ge [sflag:s22], s20  }
0x9f: {  	s3 =	ssub.s32 $0x0, s20;
	[sflag:s22] =	ssyncset.done $0x0  }
0xa0: {  	[sflag:s22] =	ssyncadd.s32 s3;
	_ =	sdelay $0x1  }
0xa1: {  	s23 =	simm.s32 $0x1B8B  }
0xa2: {  	_ =	swait.ge [sflag:s23], $0x1  }
0xa3: {  	[sflag:s23] =	ssyncset.done $0x0  }
0xa4: {  	s25 =	simm.s32 $0x1B8E;
	s24 =	sld [smem:$0x3FFE];
	[sflag:s23] =	ssyncadd.s32 $0xFFFFFFFF  }
0xa5: {  	s26 =	simm.s32 $execute0_lowered;
	[smem:$0x3FD2] =	sst s25  }
0xa6: {  	s4 =	sshll.u32 s26, $0x1;
	_ =	strace $0x8000004F;
	[dreg:$0x1] =	wrdreg $0xFFFFFFFF  }
0xa7: {  	s28 =	simm.s32 $_size_execute0_lowered;
	s2 =	sadd.s32 s2, s4;
	[dreg:$0x0] =	wrdreg $0x0  }
0xa8: {  	s4 =	sshll.u32 s28, $0x1;
	[dreg:$0x2] =	wrdreg s2  }
0xa9: {  	[dreg:$0x3] =	wrdreg s4  }
0xaa: {  	[dreg:$0x4] =	wrdreg $0xC0  }
0xab: {  	_ =	task [dreg:s6], $0x5FFFF  }
0xac: {  	[dreg:$0x1] =	wrdreg $0xFFFFFFFF  }
0xad: {  	[dreg:$0x0] =	wrdreg $0x60  }
0xae: {  	[dreg:$0x2] =	wrdreg s24  }
0xaf: {  	[dreg:$0x3] =	wrdreg $0x9  }
0xb0: {  	_ =	task.clear_ibuf [dreg:s6], $0x4FFFF;
	_ =	strace $0x9000004F  }
0xb1: {  	s29 =	simm.s32 $0x9;
	_ =	strace $0x80000051  }
0xb2: {  	_ =	swait.ge [sflag:s29], $0x1  }
0xb3: {  	[sflag:s29] =	ssyncadd.s32 $0xFFFFFFFF  }
0xb4: {  	_ =	strace $0x90000051  }
0xb5: {  	_ =	sfence  }
0xb6: {  	s30 =	sld [smem:$0x0];
	_ =	sdelay $0x2  }
0xb7: {  	s31 =	sshll.u32 s1, $0xD;
	s1 =	sshrl.u32 s1, $0x2  }
0xb8: {  	s3 =	sand.u32 $0x4000, s31;
	s1 =	sadd.s32 s1, s30  }
0xb9: {  	s0 =	sor.u32 s3, s0;
	s1 =	sshll.u32 s1, $0x11  }
0xba: {  	s0 =	sor.u32 s1, s0  }
0xbb: {  	s0 =	sadd.s32 $0x8F2B, s0  }
0xbc: {  	[sflag:s0] =	ssyncadd.remote.s32 $0x1  }
0xbd: {  	_ =	sfence.sel $0xFFFF  }
0xbe: {  	[dreg:$0x0] =	wrdreg $0xFFFFFFFF;
	(pc) =	sbr.abs _section_cstart, $3  }
0xbf: {  	[dreg:$0x1] =	wrdreg $0xFFFFFFFF  }
0xc0: {  	_ =	task.clear_ibuf [dreg:s6], $0x2FFFF;
	_ =	strace $0x9FFFFFFF  }
0xc1: {  	(tm) =	ssettm $0x7FFFFFFF  }
tec
execute0_lowered:
.L_overlay_start_1:
0x0: {  	(tag) =	ssettag $0x1  }
0x1: {  	s5 =	rddreg [dreg:$0x0]  }
0x2: {  	s0 =	rddreg [dreg:$0x1]  }
0x3: {  	s2 =	simm.s32 $0x0;
	s3 =	srdreg.scid;
	s1 =	stileid.u32  }
0x4: {  	s11 =	simm.s32 $0x80;
	s12 =	simm.s32 $0x50;
	s13 =	simm.s32 $0x100  }
0x5: {  	s14 =	simm.s32 $0x2900;
	s15 =	simm.s32 $0x1;
	s16 =	simm.s32 $0x2  }
0x6: {  	s17 =	simm.s32 $0x0;
	[smem:$0x7FF] =	sst s2;
	s7 =	smul.u32 $0x4E20, s1  }
0x7: {  	s6 =	sand.u32 $0x1, s3;
	s3 =	sadd.s32 $0x16800, s5;
	s9 =	smul.u32 $0x4E200, s1  }
0x8: {  	s4 =	sadd.s32 $0x3DA00, s5;
	s8 =	smul.u32 $0x2710, s6;
	s10 =	ssub.s32 $0x2, s6  }
0x9: {  	_ =	strace $0x80000050;
	s6 =	smul.u32 $0x27100, s6;
	s29 =	sshrl.u32 s10, $0x1  }
0xa: {  	s9 =	sadd.s32 s9, s5;
	s7 =	sadd.s32 s8, s7;
	s8 =	ssub.s32 s10, s29  }
0xb: {  	s31 =	sadd.s32 s6, s9;
	s10 =	simm.s32 $0x3;
	s7 =	sshrl.u32 s7, $0x3  }
0xc: {  	s6 =	sadd.s32 $0x64C00, s31;
	s30 =	sadd.s32 s7, s5;
	s5 =	smax.u32 s8, $0x1  }
0xd: {  	s7 =	sadd.s32 $0x546C00, s31;
	s8 =	sadd.s32 $0xCA00, s30;
	s9 =	sadd.s32 $0x2C00, s30  }
.LBB2_1:
0xe: {  	s18 =	sadd.s32 $0x0, s9  }
0xf: {  	[tilespmem:s2], [sflag:$0x3] =	stream.linear.gather [hbm4b:s18+s2], $0x50, $0x38;
	[tilespmem:$0x5100] =	vst v63  }
0x10: {  	_ =	swait.ge [sflag:s10], $0x50  }
0x11: {  	[sflag:s10] =	ssyncset.done $0x0  }
0x12: {  	s31 =	sadd.s32 $0x0, s8;
	[sflag:s10] =	ssyncadd.s32 $0xFFFFFFB0  }
0x13: {  	[tilespmem:s11], [sflag:$0x3] =	stream.linear.gather [hbm4b:s31+s2], $0x50, $0x38;
	[tilespmem:$0x5100] =	vst v63  }
0x14: {  	_ =	swait.ge [sflag:s10], $0x50  }
0x15: {  	[sflag:s10] =	ssyncset.done $0x0  }
0x16: {  	[sflag:s10] =	ssyncadd.s32 $0xFFFFFFB0  }
0x17: {  	[tilespmem:s13], [sflag:$0x1] =	stream.indirect.gather [hbm4b:s3+s12], $0x80, s2, s12, $0xb8;
	[tilespmem:$0x5100] =	vst v63  }
0x18: {  	_ = 	snop  }
0x19: {  	[tilespmem:s14], [sflag:$0x2] =	stream.indirect.gather [hbm4b:s4+s12], $0x80, s11, s12, $0xb8;
	[tilespmem:$0x5100] =	vst v63  }
0x1a: {  	_ =	swait.ge [sflag:s15], $0x2800  }
0x1b: {  	[sflag:s15] =	ssyncset.done $0x0  }
0x1c: {  	[sflag:s15] =	ssyncadd.s32 $0xFFFFD800  }
0x1d: {  	[hbm4b:s6+s2] =	stream.linear.scatter [tilespmem:s13], [sflag:$0x3], $0x2800, $0x38;
	[tilespmem:$0x5100] =	vst v63  }
0x1e: {  	_ =	swait.ge [sflag:s10], $0x2800  }
0x1f: {  	[sflag:s10] =	ssyncset.done $0x0  }
0x20: {  	[sflag:s10] =	ssyncadd.s32 $0xFFFFD800  }
0x21: {  	_ =	swait.ge [sflag:s16], $0x2800  }
0x22: {  	[sflag:s16] =	ssyncset.done $0x0  }
0x23: {  	[sflag:s16] =	ssyncadd.s32 $0xFFFFD800  }
0x24: {  	[hbm4b:s7+s2] =	stream.linear.scatter [tilespmem:s14], [sflag:$0x3], $0x2800, $0x38;
	[tilespmem:$0x5100] =	vst v63  }
0x25: {  	s20 =	simm.s32 $0xA;
	s21 =	simm.s32 $0x14;
	_ =	swait.ge [sflag:s10], $0x2800  }
0x26: {  	s19 =	sadd.s32 $0x500, s6;
	s18 =	sadd.s32 $0x500, s7;
	[sflag:s10] =	ssyncset.done $0x0  }
.LBB2_2:
0x27: {  	s22 =	sadd.s32 s20, s9  }
0x28: {  	[sflag:s10] =	ssyncadd.s32 $0xFFFFD800;
	s23 =	smov.u32 s21;
	s24 =	sadd.s32 $0xA, s21  }
0x29: {  	[tilespmem:s2], [sflag:$0x3] =	stream.linear.gather [hbm4b:s22+s2], $0x50, $0x38;
	[tilespmem:$0x5100] =	vst v63  }
0x2a: {  	p0 =	sne.s32 s21, $0x4D8;
	_ =	swait.ge [sflag:s10], $0x50  }
0x2b: {  	[sflag:s10] =	ssyncset.done $0x0  }
0x2c: {  	s21 =	sadd.s32 s20, s8;
	s20 =	smov.u32 s23;
	[sflag:s10] =	ssyncadd.s32 $0xFFFFFFB0  }
0x2d: {  	[tilespmem:s11], [sflag:$0x3] =	stream.linear.gather [hbm4b:s21+s2], $0x50, $0x38;
	[tilespmem:$0x5100] =	vst v63  }
0x2e: {  	_ =	swait.ge [sflag:s10], $0x50  }
0x2f: {  	[sflag:s10] =	ssyncset.done $0x0  }
0x30: {  	[sflag:s10] =	ssyncadd.s32 $0xFFFFFFB0  }
0x31: {  	[tilespmem:s13], [sflag:$0x1] =	stream.indirect.gather [hbm4b:s3+s12], $0x80, s2, s12, $0xb8;
	[tilespmem:$0x5100] =	vst v63  }
0x32: {  	_ = 	snop  }
0x33: {  	[tilespmem:s14], [sflag:$0x2] =	stream.indirect.gather [hbm4b:s4+s12], $0x80, s11, s12, $0xb8;
	[tilespmem:$0x5100] =	vst v63  }
0x34: {  	_ =	swait.ge [sflag:s15], $0x2800  }
0x35: {  	[sflag:s15] =	ssyncset.done $0x0  }
0x36: {  	[sflag:s15] =	ssyncadd.s32 $0xFFFFD800  }
0x37: {  	[hbm4b:s19+s2] =	stream.linear.scatter [tilespmem:s13], [sflag:$0x3], $0x2800, $0x38;
	[tilespmem:$0x5100] =	vst v63  }
0x38: {  	_ =	swait.ge [sflag:s10], $0x2800  }
0x39: {  	[sflag:s10] =	ssyncset.done $0x0  }
0x3a: {  	[sflag:s10] =	ssyncadd.s32 $0xFFFFD800  }
0x3b: {  	_ =	swait.ge [sflag:s16], $0x2800  }
.Ltmp0:
0x3c: {  	[sflag:s16] =	ssyncset.done $0x0;
	(pc) =	sbr.rel @p0 .LBB2_2-.Ltmp0, $4  }
0x3d: {  	[sflag:s16] =	ssyncadd.s32 $0xFFFFD800  }
0x3e: {  	[hbm4b:s18+s2] =	stream.linear.scatter [tilespmem:s14], [sflag:$0x3], $0x2800, $0x38;
	[tilespmem:$0x5100] =	vst v63  }
0x3f: {  	s21 =	smov.u32 s24;
	_ =	swait.ge [sflag:s10], $0x2800  }
0x40: {  	s19 =	sadd.s32 $0x500, s19;
	s18 =	sadd.s32 $0x500, s18;
	[sflag:s10] =	ssyncset.done $0x0  }
0x41: {  	s21 =	sadd.s32 s20, s9;
	[sflag:s10] =	ssyncadd.s32 $0xFFFFD800  }
0x42: {  	[tilespmem:s2], [sflag:$0x3] =	stream.linear.gather [hbm4b:s21+s2], $0x50, $0x38;
	[tilespmem:$0x5100] =	vst v63  }
0x43: {  	_ =	swait.ge [sflag:s10], $0x50  }
0x44: {  	[sflag:s10] =	ssyncset.done $0x0  }
0x45: {  	s31 =	sadd.s32 s20, s8;
	[sflag:s10] =	ssyncadd.s32 $0xFFFFFFB0  }
0x46: {  	[tilespmem:s11], [sflag:$0x3] =	stream.linear.gather [hbm4b:s31+s2], $0x50, $0x38;
	[tilespmem:$0x5100] =	vst v63  }
0x47: {  	_ =	swait.ge [sflag:s10], $0x50  }
0x48: {  	[sflag:s10] =	ssyncset.done $0x0  }
0x49: {  	[sflag:s10] =	ssyncadd.s32 $0xFFFFFFB0  }
0x4a: {  	[tilespmem:s13], [sflag:$0x1] =	stream.indirect.gather [hbm4b:s3+s12], $0x80, s2, s12, $0xb8;
	[tilespmem:$0x5100] =	vst v63  }
0x4b: {  	_ = 	snop  }
0x4c: {  	[tilespmem:s14], [sflag:$0x2] =	stream.indirect.gather [hbm4b:s4+s12], $0x80, s11, s12, $0xb8;
	[tilespmem:$0x5100] =	vst v63  }
0x4d: {  	_ =	swait.ge [sflag:s15], $0x2800  }
0x4e: {  	[sflag:s15] =	ssyncset.done $0x0  }
0x4f: {  	[sflag:s15] =	ssyncadd.s32 $0xFFFFD800  }
0x50: {  	[hbm4b:s19+s2] =	stream.linear.scatter [tilespmem:s13], [sflag:$0x3], $0x2800, $0x38;
	[tilespmem:$0x5100] =	vst v63  }
0x51: {  	_ =	swait.ge [sflag:s10], $0x2800  }
0x52: {  	[sflag:s10] =	ssyncset.done $0x0  }
0x53: {  	[sflag:s10] =	ssyncadd.s32 $0xFFFFD800  }
0x54: {  	s17 =	sadd.s32 $0x1, s17;
	_ =	swait.ge [sflag:s16], $0x2800  }
0x55: {  	p0 =	sne.s32 s17, s5;
	[sflag:s16] =	ssyncset.done $0x0  }
.Ltmp1:
0x56: {  	[sflag:s16] =	ssyncadd.s32 $0xFFFFD800;
	(pc) =	sbr.rel @p0 .LBB2_1-.Ltmp1, $4  }
0x57: {  	[hbm4b:s18+s2] =	stream.linear.scatter [tilespmem:s14], [sflag:$0x3], $0x2800, $0x38;
	[tilespmem:$0x5100] =	vst v63  }
0x58: {  	_ =	swait.ge [sflag:s10], $0x2800  }
0x59: {  	[sflag:s10] =	ssyncset.done $0x0  }
0x5a: {  	[sflag:s10] =	ssyncadd.s32 $0xFFFFD800  }
0x5b: {  	_ =	sfence.sel $0x180000  }
0x5c: {  	[bflag:$0x0] =	sbarrier.arrive $0xFFFF  }
0x5d: {  	p0 =	sne.s32 s1, $0x0;
	_ =	strace $0x90000050  }
0x5e: {  	s0 =	sadd.s32 @!p0 $0x100000, s0;
	[bflag:$0x2] =	sbarrier.arrive $0xFFFF  }
0x5f: {  	[sflag:s0] =	ssyncadd.tile.s32 @!p0 $0x1;
	_ =	shalt  }
.Lfunc_end2:
_tile_overlayer_lowered:
.L_overlay_start_2:
0x60: {  	(tag) =	ssettag $0x2  }
0x61: {  	s0 =	rddreg [dreg:$0x0];
	s2 =	stileid.u32  }
0x62: {  	s1 =	rddreg [dreg:$0x1];
	p0 =	sne.s32 s2, $0x0  }
0x63: {  	s3 =	rddreg [dreg:$0x2];
	[bflag:$0x3] =	sbarrier.arrive $0xFFFF;
	s2 =	simm.s32 @!p0 $0x1C03  }
0x64: {  	[timem:s3], [sflag:s2] =	dma.local @!p0 [hbm:s0], s1  }
0x65: {  	s0 =	simm.s32 @!p0 $0x3  }
0x66: {  	_ =	swait.ge @!p0 [sflag:s0], s1  }
0x67: {  	s1 =	ssub.s32 @!p0 $0x0, s1;
	[sflag:s0] =	ssyncset.done @!p0 $0x0  }
0x68: {  	[sflag:s0] =	ssyncadd.s32 @!p0 s1  }
0x69: {  	[bflag:$0x3] =	sbarrier.arrive $0xFFFF  }
0x6a: {  	_ =	shalt  }

</sc_bundles>
